<compile_context>
chip_gen: v7x
topology: tpu7x:2x2x1
jax: 0.10.2.dev20260603
libtpu: 0.0.44.dev20260713+nightly
codegen_flags: <defaults>
</compile_context>

<pallas_src>
import functools

import jax
import jax.numpy as jnp
from jax import lax
from jax.experimental import pallas as pl
from jax.experimental.pallas import tpu as pltpu
from jax.experimental.pallas import tpu_sc as plsc

N = 10000
E = 320000
F = 128
C = 64

NC = 2
NS = 16
NW = NC * NS
LANES = 16

BLK = 128
NB = 80
E_PAD = NW * NB * BLK
N_PAD = 10240
ROWS_PER_TILE = N_PAD // NS
TC_BLK = 512
TC_GRID = N_PAD // TC_BLK

_MESH = dict(core_axis_name="c", subcore_axis_name="s", num_cores=NC,
             num_subcores=NS)


def _zero_fill(buf, nrows, width):
    z = jnp.zeros((LANES,), jnp.float32)
    cols = width // LANES

    def body(k, _):
        i = k // cols
        j = k % cols
        buf[i, pl.ds(j * LANES, LANES)] = z
        return 0

    lax.fori_loop(0, nrows * cols, body, 0)


def _sc_degrees(nbc):
    assert NB % nbc == 0
    nchunk = NB // nbc
    mesh = plsc.VectorSubcoreMesh(**_MESH)

    @functools.partial(
        pl.kernel,
        out_type=jax.ShapeDtypeStruct((NC, N_PAD, F), jnp.float32),
        mesh=mesh,
        scratch_types=[
            pltpu.VMEM((nbc, BLK), jnp.int32),
            pltpu.VMEM((nbc, BLK), jnp.int32),
            pltpu.VMEM((BLK, F), jnp.float32),
            pltpu.VMEM((BLK, F), jnp.float32),
            pltpu.VMEM_SHARED((N_PAD, F), jnp.float32),
            pltpu.SemaphoreType.DMA,
        ],
    )
    def deg_kernel(src_hbm, dst_hbm, pat_hbm, out_hbm, src_v, dst_v, ones0,
                   ones1, acc, sem_s):
        c = lax.axis_index("c")
        s = lax.axis_index("s")
        w = s * NC + c

        pltpu.sync_copy(pat_hbm.at[0], ones0)
        base = s * ROWS_PER_TILE
        for k in range(ROWS_PER_TILE // BLK):
            pltpu.sync_copy(ones0, acc.at[pl.ds(base + k * BLK, BLK)])
        pltpu.sync_copy(pat_hbm.at[1], ones0)
        pltpu.sync_copy(pat_hbm.at[2], ones1)
        plsc.subcore_barrier()

        def chunk_body(ch, _):
            off = pl.multiple_of(ch * nbc, 8)
            pltpu.sync_copy(src_hbm.at[w, pl.ds(off, nbc)], src_v)
            pltpu.sync_copy(dst_hbm.at[w, pl.ds(off, nbc)], dst_v)

            def body(b, _):
                pltpu.async_copy(ones0, acc.at[src_v.at[b]], sem_s, add=True)
                pltpu.async_copy(ones1, acc.at[dst_v.at[b]], sem_s, add=True)
                return 0

            lax.fori_loop(0, nbc, body, 0)

            def drain(b, _):
                pltpu.make_async_copy(ones0, acc.at[src_v.at[0]],
                                      sem_s).wait()
                pltpu.make_async_copy(ones1, acc.at[dst_v.at[0]],
                                      sem_s).wait()
                return 0

            lax.fori_loop(0, nbc, drain, 0)
            return 0

        lax.fori_loop(0, nchunk, chunk_body, 0)
        plsc.subcore_barrier()

        pltpu.sync_copy(acc.at[pl.ds(base, ROWS_PER_TILE)],
                        out_hbm.at[c, pl.ds(base, ROWS_PER_TILE)])

    return deg_kernel


def _sc_agg(width, nbc):
    assert NB % nbc == 0 and nbc % 2 == 0
    mesh = plsc.VectorSubcoreMesh(**_MESH)

    @functools.partial(
        pl.kernel,
        out_type=jax.ShapeDtypeStruct((NC, N_PAD, width), jnp.float32),
        mesh=mesh,
        scratch_types=[
            pltpu.VMEM((nbc, BLK), jnp.int32),
            pltpu.VMEM((nbc, BLK), jnp.int32),
            pltpu.VMEM((BLK, width), jnp.float32),
            pltpu.VMEM((BLK, width), jnp.float32),
            pltpu.VMEM_SHARED((N_PAD, width), jnp.float32),
            pltpu.SemaphoreType.DMA,
            pltpu.SemaphoreType.DMA,
        ],
    )
    def agg_kernel(t_hbm, src_hbm, dst_hbm, out_hbm, src_v, dst_v,
                   rows_a, rows_b, acc, sem_a, sem_b):
        c = lax.axis_index("c")
        s = lax.axis_index("s")
        w = s * NC + c
        nchunk = NB // nbc

        _zero_fill(rows_a, BLK, width)
        base = s * ROWS_PER_TILE
        for k in range(ROWS_PER_TILE // BLK):
            pltpu.sync_copy(rows_a, acc.at[pl.ds(base + k * BLK, BLK)])
        plsc.subcore_barrier()

        def chunk_body(ch, _):
            off = pl.multiple_of(ch * nbc, 8)
            pltpu.sync_copy(src_hbm.at[w, pl.ds(off, nbc)], src_v)
            pltpu.sync_copy(dst_hbm.at[w, pl.ds(off, nbc)], dst_v)
            pltpu.async_copy(t_hbm.at[src_v.at[0]], rows_a, sem_a)

            def body(g, _):
                b0 = g * 2
                b1 = b0 + 1
                pltpu.async_copy(t_hbm.at[src_v.at[b1]], rows_b, sem_b)
                pltpu.make_async_copy(t_hbm.at[src_v.at[0]], rows_a,
                                      sem_a).wait()
                pltpu.sync_copy(rows_a, acc.at[dst_v.at[b0]], add=True)
                b2 = lax.rem(b0 + 2, nbc)
                pltpu.async_copy(t_hbm.at[src_v.at[b2]], rows_a, sem_a)
                pltpu.make_async_copy(t_hbm.at[src_v.at[0]], rows_b,
                                      sem_b).wait()
                pltpu.sync_copy(rows_b, acc.at[dst_v.at[b1]], add=True)
                return 0

            lax.fori_loop(0, nbc // 2, body, 0)
            pltpu.make_async_copy(t_hbm.at[src_v.at[0]], rows_a, sem_a).wait()
            return 0

        lax.fori_loop(0, nchunk, chunk_body, 0, unroll=False)
        plsc.subcore_barrier()

        pltpu.sync_copy(acc.at[pl.ds(base, ROWS_PER_TILE)],
                        out_hbm.at[c, pl.ds(base, ROWS_PER_TILE)])

    return agg_kernel


def _deg_cols(degp_blk):
    dout = degp_blk[0, :, 0:1] + degp_blk[1, :, 0:1]
    din = degp_blk[0, :, 1:2] + degp_blk[1, :, 1:2]
    rdout = lax.rsqrt(jnp.maximum(dout, 1.0))
    rdin = lax.rsqrt(jnp.maximum(din, 1.0))
    return rdout, rdin


_DEG_SPEC = pl.BlockSpec((NC, TC_BLK, F), lambda i: (0, i, 0))


def _tc_scale_mm(feat, degp, w1):

    def body(feat_ref, degp_ref, w_ref, o_ref, rds_ref):
        rdout, rdin = _deg_cols(degp_ref[...])
        o_ref[...] = jnp.dot(feat_ref[...] * rdout, w_ref[...],
                             preferred_element_type=jnp.float32)
        rds_ref[...] = jnp.concatenate(
            [rdout, rdin, jnp.zeros((TC_BLK, 6), jnp.float32)], axis=1)

    return pl.pallas_call(
        body,
        grid=(TC_GRID,),
        in_specs=[
            pl.BlockSpec((TC_BLK, F), lambda i: (i, 0)),
            _DEG_SPEC,
            pl.BlockSpec((F, F), lambda i: (0, 0)),
        ],
        out_specs=[pl.BlockSpec((TC_BLK, F), lambda i: (i, 0)),
                   pl.BlockSpec((TC_BLK, 8), lambda i: (i, 0))],
        out_shape=[jax.ShapeDtypeStruct((N_PAD, F), jnp.float32),
                   jax.ShapeDtypeStruct((N_PAD, 8), jnp.float32)],
    )(feat, degp, w1)


def _tc_mid(p, rds, b1, feat, w2p):

    def body(p_ref, rds_ref, b_ref, feat_ref, w_ref, o_ref):
        rdout = rds_ref[:, 0:1]
        rdin = rds_ref[:, 1:2]
        agg = p_ref[0] + p_ref[1]
        h = jnp.maximum(agg * rdin + b_ref[...], 0.0) + feat_ref[...]
        o_ref[...] = jnp.dot(h * rdout, w_ref[...],
                             preferred_element_type=jnp.float32)

    return pl.pallas_call(
        body,
        grid=(TC_GRID,),
        in_specs=[
            pl.BlockSpec((NC, TC_BLK, F), lambda i: (0, i, 0)),
            pl.BlockSpec((TC_BLK, 8), lambda i: (i, 0)),
            pl.BlockSpec((1, F), lambda i: (0, 0)),
            pl.BlockSpec((TC_BLK, F), lambda i: (i, 0)),
            pl.BlockSpec((F, F), lambda i: (0, 0)),
        ],
        out_specs=pl.BlockSpec((TC_BLK, F), lambda i: (i, 0)),
        out_shape=jax.ShapeDtypeStruct((N_PAD, F), jnp.float32),
    )(p, rds, b1, feat, w2p)


def _tc_final(q, rds, b2):

    def body(q_ref, rds_ref, b_ref, o_ref):
        rdin = rds_ref[:, 1:2]
        agg = q_ref[0, :, :C] + q_ref[1, :, :C]
        o_ref[...] = agg * rdin + b_ref[...]

    return pl.pallas_call(
        body,
        grid=(TC_GRID,),
        in_specs=[
            pl.BlockSpec((NC, TC_BLK, F), lambda i: (0, i, 0)),
            pl.BlockSpec((TC_BLK, 8), lambda i: (i, 0)),
            pl.BlockSpec((1, C), lambda i: (0, 0)),
        ],
        out_specs=pl.BlockSpec((TC_BLK, C), lambda i: (i, 0)),
        out_shape=jax.ShapeDtypeStruct((N_PAD, C), jnp.float32),
    )(q, rds, b2)


_deg_call = None
_agg128_call = None
_agg64_call = None


def _get_calls():
    global _deg_call, _agg128_call, _agg64_call
    if _deg_call is None:
        _deg_call = _sc_degrees(40)
        _agg128_call = _sc_agg(F, 40)
        _agg64_call = _sc_agg(F, 40)
    return _deg_call, _agg128_call, _agg64_call


def kernel(features, edge_index, W1, b1, W2, b2):
    deg_fn, agg128, agg64 = _get_calls()

    feat = jnp.pad(features, ((0, N_PAD - N), (0, 0)))
    pad = E_PAD - E
    pad_idx = N + (jnp.arange(pad, dtype=jnp.int32) % (N_PAD - N))
    src_b = jnp.concatenate([edge_index[0], pad_idx]).reshape(NW, NB, BLK)
    dst_b = jnp.concatenate([edge_index[1], pad_idx]).reshape(NW, NB, BLK)
    w2p = jnp.pad(W2, ((0, 0), (0, F - C)))

    lane = jnp.arange(F)
    pats = jnp.stack([jnp.zeros((F,)), (lane == 0) * 1.0, (lane == 1) * 1.0])
    pats = jnp.broadcast_to(pats[:, None, :], (3, BLK, F)).astype(jnp.float32)
    degp = deg_fn(src_b, dst_b, pats)
    t1, rds = _tc_scale_mm(feat, degp, W1)
    p = agg128(t1, src_b, dst_b)
    t2 = _tc_mid(p, rds, b1.reshape(1, F), feat, w2p)
    q = agg64(t2, src_b, dst_b)
    out = _tc_final(q, rds, b2.reshape(1, C))
    return out[:N]

# --- scband reference (transcript-rebuilt; emitter-appended) ---
"""Pipeline reference for scband-gnnconv-71683004170337 (READ-ONLY COPY).

The authoritative reference and input builder live on the scoring server;
editing this copy changes nothing except your own understanding.
"""

import jax, jax.numpy as jnp
import numpy as np

N_NODES = 10000
N_EDGES = 320000
IN_FEATS = 128
HIDDEN = 128
NUM_CLASSES = 64


def setup_inputs(seed: int = 0) -> dict:
    key = jax.random.key(seed)
    k1, k2, k3, k4 = jax.random.split(key, 4)
    features = jax.random.normal(k1, (N_NODES, IN_FEATS), dtype=jnp.float32)
    edge_index = jax.random.randint(k2, (2, N_EDGES), 0, N_NODES, dtype=jnp.int32)
    W1 = jax.random.normal(k3, (IN_FEATS, HIDDEN), dtype=jnp.float32) * (1.0 / np.sqrt(IN_FEATS))
    b1 = jnp.zeros((HIDDEN,), dtype=jnp.float32)
    W2 = jax.random.normal(k4, (HIDDEN, NUM_CLASSES), dtype=jnp.float32) * (1.0 / np.sqrt(HIDDEN))
    b2 = jnp.zeros((NUM_CLASSES,), dtype=jnp.float32)
    return {"features": features, "edge_index": edge_index, "W1": W1, "b1": b1, "W2": W2, "b2": b2}


def _graph_conv(x, W, b, src, dst, n, activation):
    # DGL GraphConv with norm='both', allow_zero_in_degree=True:
    # feat = feat * D_out^{-1/2}; aggregate-sum over edges; rst = rst * D_in^{-1/2}; + bias
    deg_out = jnp.clip(jnp.zeros((n,), jnp.float32).at[src].add(1.0), 1.0, None)
    deg_in = jnp.clip(jnp.zeros((n,), jnp.float32).at[dst].add(1.0), 1.0, None)
    h = x * (deg_out ** -0.5)[:, None]
    h = h @ W
    agg = jnp.zeros((n, W.shape[1]), x.dtype).at[dst].add(h[src])
    agg = agg * (deg_in ** -0.5)[:, None]
    agg = agg + b
    if activation is not None:
        agg = activation(agg)
    return agg


def reference(features, edge_index, W1, b1, W2, b2):
    n = features.shape[0]
    src = edge_index[0]
    dst = edge_index[1]
    # layer 0: GraphConv + relu, then residual (shapes match: in_feats == hidden_size)
    h = _graph_conv(features, W1, b1, src, dst, n, jax.nn.relu)
    h = h + features
    # dropout p=0.0 -> identity
    # layer 1: GraphConv, no activation, no residual (last layer)
    h = _graph_conv(h, W2, b2, src, dst, n, None)
    return h

if __name__ == "__main__":
    import jax
    _d = setup_inputs()
    print(jax.jit(kernel)(*tuple(_d.values())))

</pallas_src>

<mosaic_0001>
#map = affine_map<(d0, d1) -> (0, 0, 0)>
module attributes {stable_mosaic.version = 14 : i64} {
  func.func @deg_kernel(%arg0: i32, %arg1: i32, %arg2: memref<32x80x128xi32, #tpu.memory_space<hbm>>, %arg3: memref<32x80x128xi32, #tpu.memory_space<hbm>>, %arg4: memref<3x128x128xf32, #tpu.memory_space<hbm>>, %arg5: memref<2x10240x128xf32, #tpu.memory_space<hbm>>, %arg6: memref<40x128xi32, #tpu.memory_space<vmem>>, %arg7: memref<40x128xi32, #tpu.memory_space<vmem>>, %arg8: memref<128x128xf32, #tpu.memory_space<vmem>>, %arg9: memref<128x128xf32, #tpu.memory_space<vmem>>, %arg10: memref<10240x128xf32, #tpu.memory_space<vmem_shared>>, %arg11: memref<!tpu.dma_semaphore, #tpu.memory_space<semaphore_mem>>) attributes {dimension_semantics = [#tpu.dimension_semantics<core_parallel>, #tpu.dimension_semantics<subcore_parallel>], iteration_bounds = array<i64: 2, 16>, scalar_prefetch = 0 : i64, scratch_operands = 6 : i64, tpu.core_type = #tpu.core_type<sc_vector_subcore>, window_params = [{transform_indices = #map}, {transform_indices = #map}, {transform_indices = #map}, {transform_indices = #map}]} {
    %mul3A = arith.constant 2 : i32
    %mul3A_0 = arith.muli %arg1, %mul3A : i32
    %add3A = arith.addi %mul3A_0, %arg0 : i32
    %run_scoped3A = arith.constant 0 : i32
    "tpu.region"() ({
      %run_scoped3A_22 = tpu.sem_alloc : memref<!tpu.dma_semaphore, #tpu.memory_space<semaphore_mem>>
      %dma_start3A = arith.constant 0 : i32
      %dma_start3A_23 = arith.constant 0 : i32
      %dma_start3A_24 = tpu.memref_slice %arg4[%run_scoped3A, %dma_start3A, %dma_start3A_23] : memref<3x128x128xf32, #tpu.memory_space<hbm>> -> memref<1x128x128xf32, #tpu.memory_space<hbm>>
      %dma_start3A_25 = tpu.memref_squeeze %dma_start3A_24 : memref<1x128x128xf32, #tpu.memory_space<hbm>> -> memref<128x128xf32, #tpu.memory_space<hbm>>
      %dma_start3A_26 = arith.constant 0 : i32
      %dma_start3A_27 = arith.constant 0 : i32
      %dma_start3A_28 = tpu.memref_slice %arg4[%run_scoped3A, %dma_start3A_26, %dma_start3A_27] : memref<3x128x128xf32, #tpu.memory_space<hbm>> -> memref<1x128x128xf32, #tpu.memory_space<hbm>>
      %dma_start3A_29 = tpu.memref_squeeze %dma_start3A_28 : memref<1x128x128xf32, #tpu.memory_space<hbm>> -> memref<128x128xf32, #tpu.memory_space<hbm>>
      tpu.enqueue_dma source(%dma_start3A_29 : memref<128x128xf32, #tpu.memory_space<hbm>>) target(%arg8 : memref<128x128xf32, #tpu.memory_space<vmem>>) target_semaphore(%run_scoped3A_22 : memref<!tpu.dma_semaphore, #tpu.memory_space<semaphore_mem>>)
      %dma_wait3A = arith.constant 0 : i32
      %dma_wait3A_30 = arith.constant 0 : i32
      %dma_wait3A_31 = tpu.memref_slice %arg4[%run_scoped3A, %dma_wait3A, %dma_wait3A_30] : memref<3x128x128xf32, #tpu.memory_space<hbm>> -> memref<1x128x128xf32, #tpu.memory_space<hbm>>
      %dma_wait3A_32 = tpu.memref_squeeze %dma_wait3A_31 : memref<1x128x128xf32, #tpu.memory_space<hbm>> -> memref<128x128xf32, #tpu.memory_space<hbm>>
      %dma_wait3A_33 = arith.constant 0 : i32
      %dma_wait3A_34 = arith.constant 0 : i32
      %dma_wait3A_35 = tpu.memref_slice %arg4[%run_scoped3A, %dma_wait3A_33, %dma_wait3A_34] : memref<3x128x128xf32, #tpu.memory_space<hbm>> -> memref<1x128x128xf32, #tpu.memory_space<hbm>>
      %dma_wait3A_36 = tpu.memref_squeeze %dma_wait3A_35 : memref<1x128x128xf32, #tpu.memory_space<hbm>> -> memref<128x128xf32, #tpu.memory_space<hbm>>
      tpu.wait_dma2 semaphore(%run_scoped3A_22 : memref<!tpu.dma_semaphore, #tpu.memory_space<semaphore_mem>>) src(%dma_wait3A_36 : memref<128x128xf32, #tpu.memory_space<hbm>>) dst(%arg8 : memref<128x128xf32, #tpu.memory_space<vmem>>)
      tpu.yield
    }) : () -> ()
    %mul3A_1 = arith.constant 640 : i32
    %mul3A_2 = arith.muli %arg1, %mul3A_1 : i32
    %add3A_3 = arith.constant 0 : i32
    %add3A_4 = arith.addi %mul3A_2, %add3A_3 : i32
    "tpu.region"() ({
      %run_scoped3A_22 = tpu.sem_alloc : memref<!tpu.dma_semaphore, #tpu.memory_space<semaphore_mem>>
      %dma_start3A = arith.constant 0 : i32
      %dma_start3A_23 = tpu.memref_slice %arg10[%add3A_4, %dma_start3A] : memref<10240x128xf32, #tpu.memory_space<vmem_shared>> -> memref<128x128xf32, #tpu.memory_space<vmem_shared>>
      %dma_start3A_24 = arith.constant 0 : i32
      %dma_start3A_25 = tpu.memref_slice %arg10[%add3A_4, %dma_start3A_24] : memref<10240x128xf32, #tpu.memory_space<vmem_shared>> -> memref<128x128xf32, #tpu.memory_space<vmem_shared>>
      tpu.enqueue_dma source(%arg8 : memref<128x128xf32, #tpu.memory_space<vmem>>) target(%dma_start3A_25 : memref<128x128xf32, #tpu.memory_space<vmem_shared>>) target_semaphore(%run_scoped3A_22 : memref<!tpu.dma_semaphore, #tpu.memory_space<semaphore_mem>>)
      %dma_wait3A = arith.constant 0 : i32
      %dma_wait3A_26 = tpu.memref_slice %arg10[%add3A_4, %dma_wait3A] : memref<10240x128xf32, #tpu.memory_space<vmem_shared>> -> memref<128x128xf32, #tpu.memory_space<vmem_shared>>
      %dma_wait3A_27 = arith.constant 0 : i32
      %dma_wait3A_28 = tpu.memref_slice %arg10[%add3A_4, %dma_wait3A_27] : memref<10240x128xf32, #tpu.memory_space<vmem_shared>> -> memref<128x128xf32, #tpu.memory_space<vmem_shared>>
      tpu.wait_dma2 semaphore(%run_scoped3A_22 : memref<!tpu.dma_semaphore, #tpu.memory_space<semaphore_mem>>) src(%arg8 : memref<128x128xf32, #tpu.memory_space<vmem>>) dst(%dma_wait3A_28 : memref<128x128xf32, #tpu.memory_space<vmem_shared>>)
      tpu.yield
    }) : () -> ()
    %add3A_5 = arith.constant 128 : i32
    %add3A_6 = arith.addi %mul3A_2, %add3A_5 : i32
    "tpu.region"() ({
      %run_scoped3A_22 = tpu.sem_alloc : memref<!tpu.dma_semaphore, #tpu.memory_space<semaphore_mem>>
      %dma_start3A = arith.constant 0 : i32
      %dma_start3A_23 = tpu.memref_slice %arg10[%add3A_6, %dma_start3A] : memref<10240x128xf32, #tpu.memory_space<vmem_shared>> -> memref<128x128xf32, #tpu.memory_space<vmem_shared>>
      %dma_start3A_24 = arith.constant 0 : i32
      %dma_start3A_25 = tpu.memref_slice %arg10[%add3A_6, %dma_start3A_24] : memref<10240x128xf32, #tpu.memory_space<vmem_shared>> -> memref<128x128xf32, #tpu.memory_space<vmem_shared>>
      tpu.enqueue_dma source(%arg8 : memref<128x128xf32, #tpu.memory_space<vmem>>) target(%dma_start3A_25 : memref<128x128xf32, #tpu.memory_space<vmem_shared>>) target_semaphore(%run_scoped3A_22 : memref<!tpu.dma_semaphore, #tpu.memory_space<semaphore_mem>>)
      %dma_wait3A = arith.constant 0 : i32
      %dma_wait3A_26 = tpu.memref_slice %arg10[%add3A_6, %dma_wait3A] : memref<10240x128xf32, #tpu.memory_space<vmem_shared>> -> memref<128x128xf32, #tpu.memory_space<vmem_shared>>
      %dma_wait3A_27 = arith.constant 0 : i32
      %dma_wait3A_28 = tpu.memref_slice %arg10[%add3A_6, %dma_wait3A_27] : memref<10240x128xf32, #tpu.memory_space<vmem_shared>> -> memref<128x128xf32, #tpu.memory_space<vmem_shared>>
      tpu.wait_dma2 semaphore(%run_scoped3A_22 : memref<!tpu.dma_semaphore, #tpu.memory_space<semaphore_mem>>) src(%arg8 : memref<128x128xf32, #tpu.memory_space<vmem>>) dst(%dma_wait3A_28 : memref<128x128xf32, #tpu.memory_space<vmem_shared>>)
      tpu.yield
    }) : () -> ()
    %add3A_7 = arith.constant 256 : i32
    %add3A_8 = arith.addi %mul3A_2, %add3A_7 : i32
    "tpu.region"() ({
      %run_scoped3A_22 = tpu.sem_alloc : memref<!tpu.dma_semaphore, #tpu.memory_space<semaphore_mem>>
      %dma_start3A = arith.constant 0 : i32
      %dma_start3A_23 = tpu.memref_slice %arg10[%add3A_8, %dma_start3A] : memref<10240x128xf32, #tpu.memory_space<vmem_shared>> -> memref<128x128xf32, #tpu.memory_space<vmem_shared>>
      %dma_start3A_24 = arith.constant 0 : i32
      %dma_start3A_25 = tpu.memref_slice %arg10[%add3A_8, %dma_start3A_24] : memref<10240x128xf32, #tpu.memory_space<vmem_shared>> -> memref<128x128xf32, #tpu.memory_space<vmem_shared>>
      tpu.enqueue_dma source(%arg8 : memref<128x128xf32, #tpu.memory_space<vmem>>) target(%dma_start3A_25 : memref<128x128xf32, #tpu.memory_space<vmem_shared>>) target_semaphore(%run_scoped3A_22 : memref<!tpu.dma_semaphore, #tpu.memory_space<semaphore_mem>>)
      %dma_wait3A = arith.constant 0 : i32
      %dma_wait3A_26 = tpu.memref_slice %arg10[%add3A_8, %dma_wait3A] : memref<10240x128xf32, #tpu.memory_space<vmem_shared>> -> memref<128x128xf32, #tpu.memory_space<vmem_shared>>
      %dma_wait3A_27 = arith.constant 0 : i32
      %dma_wait3A_28 = tpu.memref_slice %arg10[%add3A_8, %dma_wait3A_27] : memref<10240x128xf32, #tpu.memory_space<vmem_shared>> -> memref<128x128xf32, #tpu.memory_space<vmem_shared>>
      tpu.wait_dma2 semaphore(%run_scoped3A_22 : memref<!tpu.dma_semaphore, #tpu.memory_space<semaphore_mem>>) src(%arg8 : memref<128x128xf32, #tpu.memory_space<vmem>>) dst(%dma_wait3A_28 : memref<128x128xf32, #tpu.memory_space<vmem_shared>>)
      tpu.yield
    }) : () -> ()
    %add3A_9 = arith.constant 384 : i32
    %add3A_10 = arith.addi %mul3A_2, %add3A_9 : i32
    "tpu.region"() ({
      %run_scoped3A_22 = tpu.sem_alloc : memref<!tpu.dma_semaphore, #tpu.memory_space<semaphore_mem>>
      %dma_start3A = arith.constant 0 : i32
      %dma_start3A_23 = tpu.memref_slice %arg10[%add3A_10, %dma_start3A] : memref<10240x128xf32, #tpu.memory_space<vmem_shared>> -> memref<128x128xf32, #tpu.memory_space<vmem_shared>>
      %dma_start3A_24 = arith.constant 0 : i32
      %dma_start3A_25 = tpu.memref_slice %arg10[%add3A_10, %dma_start3A_24] : memref<10240x128xf32, #tpu.memory_space<vmem_shared>> -> memref<128x128xf32, #tpu.memory_space<vmem_shared>>
      tpu.enqueue_dma source(%arg8 : memref<128x128xf32, #tpu.memory_space<vmem>>) target(%dma_start3A_25 : memref<128x128xf32, #tpu.memory_space<vmem_shared>>) target_semaphore(%run_scoped3A_22 : memref<!tpu.dma_semaphore, #tpu.memory_space<semaphore_mem>>)
      %dma_wait3A = arith.constant 0 : i32
      %dma_wait3A_26 = tpu.memref_slice %arg10[%add3A_10, %dma_wait3A] : memref<10240x128xf32, #tpu.memory_space<vmem_shared>> -> memref<128x128xf32, #tpu.memory_space<vmem_shared>>
      %dma_wait3A_27 = arith.constant 0 : i32
      %dma_wait3A_28 = tpu.memref_slice %arg10[%add3A_10, %dma_wait3A_27] : memref<10240x128xf32, #tpu.memory_space<vmem_shared>> -> memref<128x128xf32, #tpu.memory_space<vmem_shared>>
      tpu.wait_dma2 semaphore(%run_scoped3A_22 : memref<!tpu.dma_semaphore, #tpu.memory_space<semaphore_mem>>) src(%arg8 : memref<128x128xf32, #tpu.memory_space<vmem>>) dst(%dma_wait3A_28 : memref<128x128xf32, #tpu.memory_space<vmem_shared>>)
      tpu.yield
    }) : () -> ()
    %add3A_11 = arith.constant 512 : i32
    %add3A_12 = arith.addi %mul3A_2, %add3A_11 : i32
    "tpu.region"() ({
      %run_scoped3A_22 = tpu.sem_alloc : memref<!tpu.dma_semaphore, #tpu.memory_space<semaphore_mem>>
      %dma_start3A = arith.constant 0 : i32
      %dma_start3A_23 = tpu.memref_slice %arg10[%add3A_12, %dma_start3A] : memref<10240x128xf32, #tpu.memory_space<vmem_shared>> -> memref<128x128xf32, #tpu.memory_space<vmem_shared>>
      %dma_start3A_24 = arith.constant 0 : i32
      %dma_start3A_25 = tpu.memref_slice %arg10[%add3A_12, %dma_start3A_24] : memref<10240x128xf32, #tpu.memory_space<vmem_shared>> -> memref<128x128xf32, #tpu.memory_space<vmem_shared>>
      tpu.enqueue_dma source(%arg8 : memref<128x128xf32, #tpu.memory_space<vmem>>) target(%dma_start3A_25 : memref<128x128xf32, #tpu.memory_space<vmem_shared>>) target_semaphore(%run_scoped3A_22 : memref<!tpu.dma_semaphore, #tpu.memory_space<semaphore_mem>>)
      %dma_wait3A = arith.constant 0 : i32
      %dma_wait3A_26 = tpu.memref_slice %arg10[%add3A_12, %dma_wait3A] : memref<10240x128xf32, #tpu.memory_space<vmem_shared>> -> memref<128x128xf32, #tpu.memory_space<vmem_shared>>
      %dma_wait3A_27 = arith.constant 0 : i32
      %dma_wait3A_28 = tpu.memref_slice %arg10[%add3A_12, %dma_wait3A_27] : memref<10240x128xf32, #tpu.memory_space<vmem_shared>> -> memref<128x128xf32, #tpu.memory_space<vmem_shared>>
      tpu.wait_dma2 semaphore(%run_scoped3A_22 : memref<!tpu.dma_semaphore, #tpu.memory_space<semaphore_mem>>) src(%arg8 : memref<128x128xf32, #tpu.memory_space<vmem>>) dst(%dma_wait3A_28 : memref<128x128xf32, #tpu.memory_space<vmem_shared>>)
      tpu.yield
    }) : () -> ()
    %run_scoped3A_13 = arith.constant 1 : i32
    "tpu.region"() ({
      %run_scoped3A_22 = tpu.sem_alloc : memref<!tpu.dma_semaphore, #tpu.memory_space<semaphore_mem>>
      %dma_start3A = arith.constant 0 : i32
      %dma_start3A_23 = arith.constant 0 : i32
      %dma_start3A_24 = tpu.memref_slice %arg4[%run_scoped3A_13, %dma_start3A, %dma_start3A_23] : memref<3x128x128xf32, #tpu.memory_space<hbm>> -> memref<1x128x128xf32, #tpu.memory_space<hbm>>
      %dma_start3A_25 = tpu.memref_squeeze %dma_start3A_24 : memref<1x128x128xf32, #tpu.memory_space<hbm>> -> memref<128x128xf32, #tpu.memory_space<hbm>>
      %dma_start3A_26 = arith.constant 0 : i32
      %dma_start3A_27 = arith.constant 0 : i32
      %dma_start3A_28 = tpu.memref_slice %arg4[%run_scoped3A_13, %dma_start3A_26, %dma_start3A_27] : memref<3x128x128xf32, #tpu.memory_space<hbm>> -> memref<1x128x128xf32, #tpu.memory_space<hbm>>
      %dma_start3A_29 = tpu.memref_squeeze %dma_start3A_28 : memref<1x128x128xf32, #tpu.memory_space<hbm>> -> memref<128x128xf32, #tpu.memory_space<hbm>>
      tpu.enqueue_dma source(%dma_start3A_29 : memref<128x128xf32, #tpu.memory_space<hbm>>) target(%arg8 : memref<128x128xf32, #tpu.memory_space<vmem>>) target_semaphore(%run_scoped3A_22 : memref<!tpu.dma_semaphore, #tpu.memory_space<semaphore_mem>>)
      %dma_wait3A = arith.constant 0 : i32
      %dma_wait3A_30 = arith.constant 0 : i32
      %dma_wait3A_31 = tpu.memref_slice %arg4[%run_scoped3A_13, %dma_wait3A, %dma_wait3A_30] : memref<3x128x128xf32, #tpu.memory_space<hbm>> -> memref<1x128x128xf32, #tpu.memory_space<hbm>>
      %dma_wait3A_32 = tpu.memref_squeeze %dma_wait3A_31 : memref<1x128x128xf32, #tpu.memory_space<hbm>> -> memref<128x128xf32, #tpu.memory_space<hbm>>
      %dma_wait3A_33 = arith.constant 0 : i32
      %dma_wait3A_34 = arith.constant 0 : i32
      %dma_wait3A_35 = tpu.memref_slice %arg4[%run_scoped3A_13, %dma_wait3A_33, %dma_wait3A_34] : memref<3x128x128xf32, #tpu.memory_space<hbm>> -> memref<1x128x128xf32, #tpu.memory_space<hbm>>
      %dma_wait3A_36 = tpu.memref_squeeze %dma_wait3A_35 : memref<1x128x128xf32, #tpu.memory_space<hbm>> -> memref<128x128xf32, #tpu.memory_space<hbm>>
      tpu.wait_dma2 semaphore(%run_scoped3A_22 : memref<!tpu.dma_semaphore, #tpu.memory_space<semaphore_mem>>) src(%dma_wait3A_36 : memref<128x128xf32, #tpu.memory_space<hbm>>) dst(%arg8 : memref<128x128xf32, #tpu.memory_space<vmem>>)
      tpu.yield
    }) : () -> ()
    %run_scoped3A_14 = arith.constant 2 : i32
    "tpu.region"() ({
      %run_scoped3A_22 = tpu.sem_alloc : memref<!tpu.dma_semaphore, #tpu.memory_space<semaphore_mem>>
      %dma_start3A = arith.constant 0 : i32
      %dma_start3A_23 = arith.constant 0 : i32
      %dma_start3A_24 = tpu.memref_slice %arg4[%run_scoped3A_14, %dma_start3A, %dma_start3A_23] : memref<3x128x128xf32, #tpu.memory_space<hbm>> -> memref<1x128x128xf32, #tpu.memory_space<hbm>>
      %dma_start3A_25 = tpu.memref_squeeze %dma_start3A_24 : memref<1x128x128xf32, #tpu.memory_space<hbm>> -> memref<128x128xf32, #tpu.memory_space<hbm>>
      %dma_start3A_26 = arith.constant 0 : i32
      %dma_start3A_27 = arith.constant 0 : i32
      %dma_start3A_28 = tpu.memref_slice %arg4[%run_scoped3A_14, %dma_start3A_26, %dma_start3A_27] : memref<3x128x128xf32, #tpu.memory_space<hbm>> -> memref<1x128x128xf32, #tpu.memory_space<hbm>>
      %dma_start3A_29 = tpu.memref_squeeze %dma_start3A_28 : memref<1x128x128xf32, #tpu.memory_space<hbm>> -> memref<128x128xf32, #tpu.memory_space<hbm>>
      tpu.enqueue_dma source(%dma_start3A_29 : memref<128x128xf32, #tpu.memory_space<hbm>>) target(%arg9 : memref<128x128xf32, #tpu.memory_space<vmem>>) target_semaphore(%run_scoped3A_22 : memref<!tpu.dma_semaphore, #tpu.memory_space<semaphore_mem>>)
      %dma_wait3A = arith.constant 0 : i32
      %dma_wait3A_30 = arith.constant 0 : i32
      %dma_wait3A_31 = tpu.memref_slice %arg4[%run_scoped3A_14, %dma_wait3A, %dma_wait3A_30] : memref<3x128x128xf32, #tpu.memory_space<hbm>> -> memref<1x128x128xf32, #tpu.memory_space<hbm>>
      %dma_wait3A_32 = tpu.memref_squeeze %dma_wait3A_31 : memref<1x128x128xf32, #tpu.memory_space<hbm>> -> memref<128x128xf32, #tpu.memory_space<hbm>>
      %dma_wait3A_33 = arith.constant 0 : i32
      %dma_wait3A_34 = arith.constant 0 : i32
      %dma_wait3A_35 = tpu.memref_slice %arg4[%run_scoped3A_14, %dma_wait3A_33, %dma_wait3A_34] : memref<3x128x128xf32, #tpu.memory_space<hbm>> -> memref<1x128x128xf32, #tpu.memory_space<hbm>>
      %dma_wait3A_36 = tpu.memref_squeeze %dma_wait3A_35 : memref<1x128x128xf32, #tpu.memory_space<hbm>> -> memref<128x128xf32, #tpu.memory_space<hbm>>
      tpu.wait_dma2 semaphore(%run_scoped3A_22 : memref<!tpu.dma_semaphore, #tpu.memory_space<semaphore_mem>>) src(%dma_wait3A_36 : memref<128x128xf32, #tpu.memory_space<hbm>>) dst(%arg9 : memref<128x128xf32, #tpu.memory_space<vmem>>)
      tpu.yield
    }) : () -> ()
    %barrier3A = arith.constant 0 : index
    tpu.barrier barrier_id(%barrier3A)
    %scan3A = arith.constant 0 : i32
    %scan3A_15 = arith.constant 0 : i32
    %scan3A_16 = arith.constant 2 : i32
    %scan3A_17 = arith.addi %scan3A_15, %scan3A_16 : i32
    %scan3A_18 = arith.constant 1 : i32
    %scan3A_19 = scf.for %scan3A_22 = %scan3A_15 to %scan3A_17 step %scan3A_18 iter_args(%scan3A_23 = %scan3A) -> (i32)  : i32 {
      %mul3A_24 = arith.constant 40 : i32
      %mul3A_25 = arith.muli %scan3A_22, %mul3A_24 : i32
      %multiple_of3A = tpu.assume_multiple %mul3A_25, 8 : i32
      "tpu.region"() ({
        %run_scoped3A_41 = tpu.sem_alloc : memref<!tpu.dma_semaphore, #tpu.memory_space<semaphore_mem>>
        %dma_start3A = arith.constant 0 : i32
        %dma_start3A_42 = tpu.memref_slice %arg2[%add3A, %multiple_of3A, %dma_start3A] : memref<32x80x128xi32, #tpu.memory_space<hbm>> -> memref<1x40x128xi32, #tpu.memory_space<hbm>>
        %dma_start3A_43 = tpu.memref_squeeze %dma_start3A_42 : memref<1x40x128xi32, #tpu.memory_space<hbm>> -> memref<40x128xi32, #tpu.memory_space<hbm>>
        %dma_start3A_44 = arith.constant 0 : i32
        %dma_start3A_45 = tpu.memref_slice %arg2[%add3A, %multiple_of3A, %dma_start3A_44] : memref<32x80x128xi32, #tpu.memory_space<hbm>> -> memref<1x40x128xi32, #tpu.memory_space<hbm>>
        %dma_start3A_46 = tpu.memref_squeeze %dma_start3A_45 : memref<1x40x128xi32, #tpu.memory_space<hbm>> -> memref<40x128xi32, #tpu.memory_space<hbm>>
        tpu.enqueue_dma source(%dma_start3A_46 : memref<40x128xi32, #tpu.memory_space<hbm>>) target(%arg6 : memref<40x128xi32, #tpu.memory_space<vmem>>) target_semaphore(%run_scoped3A_41 : memref<!tpu.dma_semaphore, #tpu.memory_space<semaphore_mem>>)
        %dma_wait3A = arith.constant 0 : i32
        %dma_wait3A_47 = tpu.memref_slice %arg2[%add3A, %multiple_of3A, %dma_wait3A] : memref<32x80x128xi32, #tpu.memory_space<hbm>> -> memref<1x40x128xi32, #tpu.memory_space<hbm>>
        %dma_wait3A_48 = tpu.memref_squeeze %dma_wait3A_47 : memref<1x40x128xi32, #tpu.memory_space<hbm>> -> memref<40x128xi32, #tpu.memory_space<hbm>>
        %dma_wait3A_49 = arith.constant 0 : i32
        %dma_wait3A_50 = tpu.memref_slice %arg2[%add3A, %multiple_of3A, %dma_wait3A_49] : memref<32x80x128xi32, #tpu.memory_space<hbm>> -> memref<1x40x128xi32, #tpu.memory_space<hbm>>
        %dma_wait3A_51 = tpu.memref_squeeze %dma_wait3A_50 : memref<1x40x128xi32, #tpu.memory_space<hbm>> -> memref<40x128xi32, #tpu.memory_space<hbm>>
        tpu.wait_dma2 semaphore(%run_scoped3A_41 : memref<!tpu.dma_semaphore, #tpu.memory_space<semaphore_mem>>) src(%dma_wait3A_51 : memref<40x128xi32, #tpu.memory_space<hbm>>) dst(%arg6 : memref<40x128xi32, #tpu.memory_space<vmem>>)
        tpu.yield
      }) : () -> ()
      "tpu.region"() ({
        %run_scoped3A_41 = tpu.sem_alloc : memref<!tpu.dma_semaphore, #tpu.memory_space<semaphore_mem>>
        %dma_start3A = arith.constant 0 : i32
        %dma_start3A_42 = tpu.memref_slice %arg3[%add3A, %multiple_of3A, %dma_start3A] : memref<32x80x128xi32, #tpu.memory_space<hbm>> -> memref<1x40x128xi32, #tpu.memory_space<hbm>>
        %dma_start3A_43 = tpu.memref_squeeze %dma_start3A_42 : memref<1x40x128xi32, #tpu.memory_space<hbm>> -> memref<40x128xi32, #tpu.memory_space<hbm>>
        %dma_start3A_44 = arith.constant 0 : i32
        %dma_start3A_45 = tpu.memref_slice %arg3[%add3A, %multiple_of3A, %dma_start3A_44] : memref<32x80x128xi32, #tpu.memory_space<hbm>> -> memref<1x40x128xi32, #tpu.memory_space<hbm>>
        %dma_start3A_46 = tpu.memref_squeeze %dma_start3A_45 : memref<1x40x128xi32, #tpu.memory_space<hbm>> -> memref<40x128xi32, #tpu.memory_space<hbm>>
        tpu.enqueue_dma source(%dma_start3A_46 : memref<40x128xi32, #tpu.memory_space<hbm>>) target(%arg7 : memref<40x128xi32, #tpu.memory_space<vmem>>) target_semaphore(%run_scoped3A_41 : memref<!tpu.dma_semaphore, #tpu.memory_space<semaphore_mem>>)
        %dma_wait3A = arith.constant 0 : i32
        %dma_wait3A_47 = tpu.memref_slice %arg3[%add3A, %multiple_of3A, %dma_wait3A] : memref<32x80x128xi32, #tpu.memory_space<hbm>> -> memref<1x40x128xi32, #tpu.memory_space<hbm>>
        %dma_wait3A_48 = tpu.memref_squeeze %dma_wait3A_47 : memref<1x40x128xi32, #tpu.memory_space<hbm>> -> memref<40x128xi32, #tpu.memory_space<hbm>>
        %dma_wait3A_49 = arith.constant 0 : i32
        %dma_wait3A_50 = tpu.memref_slice %arg3[%add3A, %multiple_of3A, %dma_wait3A_49] : memref<32x80x128xi32, #tpu.memory_space<hbm>> -> memref<1x40x128xi32, #tpu.memory_space<hbm>>
        %dma_wait3A_51 = tpu.memref_squeeze %dma_wait3A_50 : memref<1x40x128xi32, #tpu.memory_space<hbm>> -> memref<40x128xi32, #tpu.memory_space<hbm>>
        tpu.wait_dma2 semaphore(%run_scoped3A_41 : memref<!tpu.dma_semaphore, #tpu.memory_space<semaphore_mem>>) src(%dma_wait3A_51 : memref<40x128xi32, #tpu.memory_space<hbm>>) dst(%arg7 : memref<40x128xi32, #tpu.memory_space<vmem>>)
        tpu.yield
      }) : () -> ()
      %scan3A_26 = arith.constant 0 : i32
      %scan3A_27 = arith.constant 0 : i32
      %scan3A_28 = arith.constant 40 : i32
      %scan3A_29 = arith.addi %scan3A_27, %scan3A_28 : i32
      %scan3A_30 = arith.constant 1 : i32
      %scan3A_31 = scf.for %scan3A_41 = %scan3A_27 to %scan3A_29 step %scan3A_30 iter_args(%scan3A_42 = %scan3A_26) -> (i32)  : i32 {
        %dma_start3A = arith.constant 0 : i32
        %dma_start3A_43 = tpu.memref_slice %arg6[%scan3A_41, %dma_start3A] : memref<40x128xi32, #tpu.memory_space<vmem>> -> memref<1x128xi32, #tpu.memory_space<vmem>>
        %dma_start3A_44 = tpu.memref_squeeze %dma_start3A_43 : memref<1x128xi32, #tpu.memory_space<vmem>> -> memref<128xi32, #tpu.memory_space<vmem>>
        %dma_start3A_45 = arith.constant 0 : i32
        %dma_start3A_46 = arith.constant 0 : i32
        %dma_start3A_47 = tpu.memref_slice %arg10[%dma_start3A_45, %dma_start3A_46] : memref<10240x128xf32, #tpu.memory_space<vmem_shared>> -> memref<10240x128xf32, #tpu.memory_space<vmem_shared>>
        tpu.enqueue_indirect_dma source(%arg8 : memref<128x128xf32, #tpu.memory_space<vmem>>) target(%dma_start3A_47 : memref<10240x128xf32, #tpu.memory_space<vmem_shared>>) offsets(%dma_start3A_44 : memref<128xi32, #tpu.memory_space<vmem>>) semaphore(%arg11 : memref<!tpu.dma_semaphore, #tpu.memory_space<semaphore_mem>>) {add = true}
        %dma_start3A_48 = arith.constant 0 : i32
        %dma_start3A_49 = tpu.memref_slice %arg7[%scan3A_41, %dma_start3A_48] : memref<40x128xi32, #tpu.memory_space<vmem>> -> memref<1x128xi32, #tpu.memory_space<vmem>>
        %dma_start3A_50 = tpu.memref_squeeze %dma_start3A_49 : memref<1x128xi32, #tpu.memory_space<vmem>> -> memref<128xi32, #tpu.memory_space<vmem>>
        %dma_start3A_51 = arith.constant 0 : i32
        %dma_start3A_52 = arith.constant 0 : i32
        %dma_start3A_53 = tpu.memref_slice %arg10[%dma_start3A_51, %dma_start3A_52] : memref<10240x128xf32, #tpu.memory_space<vmem_shared>> -> memref<10240x128xf32, #tpu.memory_space<vmem_shared>>
        tpu.enqueue_indirect_dma source(%arg9 : memref<128x128xf32, #tpu.memory_space<vmem>>) target(%dma_start3A_53 : memref<10240x128xf32, #tpu.memory_space<vmem_shared>>) offsets(%dma_start3A_50 : memref<128xi32, #tpu.memory_space<vmem>>) semaphore(%arg11 : memref<!tpu.dma_semaphore, #tpu.memory_space<semaphore_mem>>) {add = true}
        %scan3A_54 = arith.constant 0 : i32
        scf.yield %scan3A_54 : i32
      }
      %scan3A_32 = arith.constant 40 : i32
      %scan3A_33 = arith.constant 0 : i32
      %scan3A_34 = arith.constant 0 : i32
      %scan3A_35 = arith.constant 40 : i32
      %scan3A_36 = arith.addi %scan3A_34, %scan3A_35 : i32
      %scan3A_37 = arith.constant 1 : i32
      %scan3A_38 = scf.for %scan3A_41 = %scan3A_34 to %scan3A_36 step %scan3A_37 iter_args(%scan3A_42 = %scan3A_33) -> (i32)  : i32 {
        %dma_wait3A = arith.constant 0 : i32
        %dma_wait3A_43 = arith.constant 0 : i32
        %dma_wait3A_44 = tpu.memref_slice %arg6[%dma_wait3A, %dma_wait3A_43] : memref<40x128xi32, #tpu.memory_space<vmem>> -> memref<1x128xi32, #tpu.memory_space<vmem>>
        %dma_wait3A_45 = tpu.memref_squeeze %dma_wait3A_44 : memref<1x128xi32, #tpu.memory_space<vmem>> -> memref<128xi32, #tpu.memory_space<vmem>>
        %dma_wait3A_46 = arith.constant 0 : i32
        %dma_wait3A_47 = arith.constant 0 : i32
        %dma_wait3A_48 = tpu.memref_slice %arg10[%dma_wait3A_46, %dma_wait3A_47] : memref<10240x128xf32, #tpu.memory_space<vmem_shared>> -> memref<10240x128xf32, #tpu.memory_space<vmem_shared>>
        tpu.wait_indirect_dma semaphore(%arg11 : memref<!tpu.dma_semaphore, #tpu.memory_space<semaphore_mem>>) src(%arg8 : memref<128x128xf32, #tpu.memory_space<vmem>>) dst(%dma_wait3A_48 : memref<10240x128xf32, #tpu.memory_space<vmem_shared>>)
        %dma_wait3A_49 = arith.constant 0 : i32
        %dma_wait3A_50 = arith.constant 0 : i32
        %dma_wait3A_51 = tpu.memref_slice %arg7[%dma_wait3A_49, %dma_wait3A_50] : memref<40x128xi32, #tpu.memory_space<vmem>> -> memref<1x128xi32, #tpu.memory_space<vmem>>
        %dma_wait3A_52 = tpu.memref_squeeze %dma_wait3A_51 : memref<1x128xi32, #tpu.memory_space<vmem>> -> memref<128xi32, #tpu.memory_space<vmem>>
        %dma_wait3A_53 = arith.constant 0 : i32
        %dma_wait3A_54 = arith.constant 0 : i32
        %dma_wait3A_55 = tpu.memref_slice %arg10[%dma_wait3A_53, %dma_wait3A_54] : memref<10240x128xf32, #tpu.memory_space<vmem_shared>> -> memref<10240x128xf32, #tpu.memory_space<vmem_shared>>
        tpu.wait_indirect_dma semaphore(%arg11 : memref<!tpu.dma_semaphore, #tpu.memory_space<semaphore_mem>>) src(%arg9 : memref<128x128xf32, #tpu.memory_space<vmem>>) dst(%dma_wait3A_55 : memref<10240x128xf32, #tpu.memory_space<vmem_shared>>)
        %scan3A_56 = arith.constant 0 : i32
        scf.yield %scan3A_56 : i32
      }
      %scan3A_39 = arith.constant 40 : i32
      %scan3A_40 = arith.constant 0 : i32
      scf.yield %scan3A_40 : i32
    }
    %scan3A_20 = arith.constant 2 : i32
    %barrier3A_21 = arith.constant 0 : index
    tpu.barrier barrier_id(%barrier3A_21)
    "tpu.region"() ({
      %run_scoped3A_22 = tpu.sem_alloc : memref<!tpu.dma_semaphore, #tpu.memory_space<semaphore_mem>>
      %dma_start3A = arith.constant 0 : i32
      %dma_start3A_23 = tpu.memref_slice %arg5[%arg0, %mul3A_2, %dma_start3A] : memref<2x10240x128xf32, #tpu.memory_space<hbm>> -> memref<1x640x128xf32, #tpu.memory_space<hbm>>
      %dma_start3A_24 = tpu.memref_squeeze %dma_start3A_23 : memref<1x640x128xf32, #tpu.memory_space<hbm>> -> memref<640x128xf32, #tpu.memory_space<hbm>>
      %dma_start3A_25 = arith.constant 0 : i32
      %dma_start3A_26 = tpu.memref_slice %arg10[%mul3A_2, %dma_start3A_25] : memref<10240x128xf32, #tpu.memory_space<vmem_shared>> -> memref<640x128xf32, #tpu.memory_space<vmem_shared>>
      tpu.enqueue_dma source(%dma_start3A_26 : memref<640x128xf32, #tpu.memory_space<vmem_shared>>) target(%dma_start3A_24 : memref<640x128xf32, #tpu.memory_space<hbm>>) target_semaphore(%run_scoped3A_22 : memref<!tpu.dma_semaphore, #tpu.memory_space<semaphore_mem>>)
      %dma_wait3A = arith.constant 0 : i32
      %dma_wait3A_27 = tpu.memref_slice %arg5[%arg0, %mul3A_2, %dma_wait3A] : memref<2x10240x128xf32, #tpu.memory_space<hbm>> -> memref<1x640x128xf32, #tpu.memory_space<hbm>>
      %dma_wait3A_28 = tpu.memref_squeeze %dma_wait3A_27 : memref<1x640x128xf32, #tpu.memory_space<hbm>> -> memref<640x128xf32, #tpu.memory_space<hbm>>
      %dma_wait3A_29 = arith.constant 0 : i32
      %dma_wait3A_30 = tpu.memref_slice %arg10[%mul3A_2, %dma_wait3A_29] : memref<10240x128xf32, #tpu.memory_space<vmem_shared>> -> memref<640x128xf32, #tpu.memory_space<vmem_shared>>
      tpu.wait_dma2 semaphore(%run_scoped3A_22 : memref<!tpu.dma_semaphore, #tpu.memory_space<semaphore_mem>>) src(%dma_wait3A_30 : memref<640x128xf32, #tpu.memory_space<vmem_shared>>) dst(%dma_wait3A_28 : memref<640x128xf32, #tpu.memory_space<hbm>>)
      tpu.yield
    }) : () -> ()
    return
  }
}

#map = affine_map<(d0, d1) -> (0, 0)>
#map1 = affine_map<(d0, d1) -> (0, 0, 0)>
module attributes {stable_mosaic.version = 14 : i64} {
  func.func @agg_kernel(%arg0: i32, %arg1: i32, %arg2: memref<10240x128xf32, #tpu.memory_space<hbm>>, %arg3: memref<32x80x128xi32, #tpu.memory_space<hbm>>, %arg4: memref<32x80x128xi32, #tpu.memory_space<hbm>>, %arg5: memref<2x10240x128xf32, #tpu.memory_space<hbm>>, %arg6: memref<40x128xi32, #tpu.memory_space<vmem>>, %arg7: memref<40x128xi32, #tpu.memory_space<vmem>>, %arg8: memref<128x128xf32, #tpu.memory_space<vmem>>, %arg9: memref<128x128xf32, #tpu.memory_space<vmem>>, %arg10: memref<10240x128xf32, #tpu.memory_space<vmem_shared>>, %arg11: memref<!tpu.dma_semaphore, #tpu.memory_space<semaphore_mem>>, %arg12: memref<!tpu.dma_semaphore, #tpu.memory_space<semaphore_mem>>) attributes {dimension_semantics = [#tpu.dimension_semantics<core_parallel>, #tpu.dimension_semantics<subcore_parallel>], iteration_bounds = array<i64: 2, 16>, scalar_prefetch = 0 : i64, scratch_operands = 7 : i64, tpu.core_type = #tpu.core_type<sc_vector_subcore>, window_params = [{transform_indices = #map}, {transform_indices = #map1}, {transform_indices = #map1}, {transform_indices = #map1}]} {
    %mul3A = arith.constant 2 : i32
    %mul3A_0 = arith.muli %arg1, %mul3A : i32
    %add3A = arith.addi %mul3A_0, %arg0 : i32
    %broadcast_in_dim3A = arith.constant 0.000000e+00 : f32
    %broadcast_in_dim3A_1 = vector.broadcast %broadcast_in_dim3A : f32 to vector<16xf32>
    %scan3A = arith.constant 0 : i32
    %scan3A_2 = arith.constant 0 : i32
    %scan3A_3 = arith.constant 1024 : i32
    %scan3A_4 = arith.addi %scan3A_2, %scan3A_3 : i32
    %scan3A_5 = arith.constant 1 : i32
    %scan3A_6 = scf.for %scan3A_28 = %scan3A_2 to %scan3A_4 step %scan3A_5 iter_args(%scan3A_29 = %scan3A) -> (i32)  : i32 {
      %jit3A = arith.constant 8 : i32
      %div3A = arith.divsi %scan3A_28, %jit3A : i32
      %sign3A = arith.constant 0 : i32
      %sign3A_30 = arith.cmpi sgt, %scan3A_28, %sign3A : i32
      %sign3A_31 = arith.extui %sign3A_30 : i1 to i32
      %sign3A_32 = arith.constant 0 : i32
      %sign3A_33 = arith.cmpi slt, %scan3A_28, %sign3A_32 : i32
      %sign3A_34 = arith.extui %sign3A_33 : i1 to i32
      %sign3A_35 = arith.subi %sign3A_31, %sign3A_34 : i32
      %sign3A_36 = arith.constant 0 : i32
      %sign3A_37 = arith.cmpi sgt, %jit3A, %sign3A_36 : i32
      %sign3A_38 = arith.extui %sign3A_37 : i1 to i32
      %sign3A_39 = arith.constant 0 : i32
      %sign3A_40 = arith.cmpi slt, %jit3A, %sign3A_39 : i32
      %sign3A_41 = arith.extui %sign3A_40 : i1 to i32
      %sign3A_42 = arith.subi %sign3A_38, %sign3A_41 : i32
      %ne3A = arith.cmpi ne, %sign3A_35, %sign3A_42 : i32
      %rem3A = arith.remsi %scan3A_28, %jit3A : i32
      %ne3A_43 = arith.constant 0 : i32
      %ne3A_44 = arith.cmpi ne, %rem3A, %ne3A_43 : i32
      %and3A = arith.andi %ne3A, %ne3A_44 : i1
      %sub3A = arith.constant 1 : i32
      %sub3A_45 = arith.subi %div3A, %sub3A : i32
      %select_n3A = arith.select %and3A, %sub3A_45, %div3A : i32
      %jit3A_46 = arith.constant 8 : i32
      %eq3A = arith.constant 0 : i32
      %eq3A_47 = arith.cmpi eq, %jit3A_46, %eq3A : i32
      %jit3A_48 = arith.constant 1 : i32
      %select_n3A_49 = arith.select %eq3A_47, %jit3A_48, %jit3A_46 : i32
      %rem3A_50 = arith.remsi %scan3A_28, %select_n3A_49 : i32
      %ne3A_51 = arith.constant 0 : i32
      %ne3A_52 = arith.cmpi ne, %rem3A_50, %ne3A_51 : i32
      %lt3A = arith.constant 0 : i32
      %lt3A_53 = arith.cmpi slt, %rem3A_50, %lt3A : i32
      %lt3A_54 = arith.constant 0 : i32
      %lt3A_55 = arith.cmpi slt, %select_n3A_49, %lt3A_54 : i32
      %ne3A_56 = arith.xori %lt3A_53, %lt3A_55 : i1
      %and3A_57 = arith.andi %ne3A_56, %ne3A_52 : i1
      %add3A_58 = arith.addi %rem3A_50, %select_n3A_49 : i32
      %select_n3A_59 = arith.select %and3A_57, %add3A_58, %rem3A_50 : i32
      %mul3A_60 = arith.constant 16 : i32
      %mul3A_61 = arith.muli %select_n3A_59, %mul3A_60 : i32
      %swap3A = arith.index_cast %select_n3A : i32 to index
      %swap3A_62 = arith.index_cast %mul3A_61 : i32 to index
      %swap3A_63 = tpu.vector_load %arg8[%swap3A, %swap3A_62] {strides = array<i32>} : memref<128x128xf32, #tpu.memory_space<vmem>>, vector<1x16xf32>,
      %swap3A_64 = vector.shape_cast %swap3A_63 : vector<1x16xf32> to vector<16xf32>
      %swap3A_65 = vector.shape_cast %broadcast_in_dim3A_1 : vector<16xf32> to vector<1x16xf32>
      tpu.vector_store %arg8[%swap3A, %swap3A_62], %swap3A_65 {strides = array<i32>} : memref<128x128xf32, #tpu.memory_space<vmem>>, vector<1x16xf32>,
      %scan3A_66 = arith.constant 0 : i32
      scf.yield %scan3A_66 : i32
    }
    %scan3A_7 = arith.constant 1024 : i32
    %mul3A_8 = arith.constant 640 : i32
    %mul3A_9 = arith.muli %arg1, %mul3A_8 : i32
    %add3A_10 = arith.constant 0 : i32
    %add3A_11 = arith.addi %mul3A_9, %add3A_10 : i32
    "tpu.region"() ({
      %run_scoped3A = tpu.sem_alloc : memref<!tpu.dma_semaphore, #tpu.memory_space<semaphore_mem>>
      %dma_start3A = arith.constant 0 : i32
      %dma_start3A_28 = tpu.memref_slice %arg10[%add3A_11, %dma_start3A] : memref<10240x128xf32, #tpu.memory_space<vmem_shared>> -> memref<128x128xf32, #tpu.memory_space<vmem_shared>>
      %dma_start3A_29 = arith.constant 0 : i32
      %dma_start3A_30 = tpu.memref_slice %arg10[%add3A_11, %dma_start3A_29] : memref<10240x128xf32, #tpu.memory_space<vmem_shared>> -> memref<128x128xf32, #tpu.memory_space<vmem_shared>>
      tpu.enqueue_dma source(%arg8 : memref<128x128xf32, #tpu.memory_space<vmem>>) target(%dma_start3A_30 : memref<128x128xf32, #tpu.memory_space<vmem_shared>>) target_semaphore(%run_scoped3A : memref<!tpu.dma_semaphore, #tpu.memory_space<semaphore_mem>>)
      %dma_wait3A = arith.constant 0 : i32
      %dma_wait3A_31 = tpu.memref_slice %arg10[%add3A_11, %dma_wait3A] : memref<10240x128xf32, #tpu.memory_space<vmem_shared>> -> memref<128x128xf32, #tpu.memory_space<vmem_shared>>
      %dma_wait3A_32 = arith.constant 0 : i32
      %dma_wait3A_33 = tpu.memref_slice %arg10[%add3A_11, %dma_wait3A_32] : memref<10240x128xf32, #tpu.memory_space<vmem_shared>> -> memref<128x128xf32, #tpu.memory_space<vmem_shared>>
      tpu.wait_dma2 semaphore(%run_scoped3A : memref<!tpu.dma_semaphore, #tpu.memory_space<semaphore_mem>>) src(%arg8 : memref<128x128xf32, #tpu.memory_space<vmem>>) dst(%dma_wait3A_33 : memref<128x128xf32, #tpu.memory_space<vmem_shared>>)
      tpu.yield
    }) : () -> ()
    %add3A_12 = arith.constant 128 : i32
    %add3A_13 = arith.addi %mul3A_9, %add3A_12 : i32
    "tpu.region"() ({
      %run_scoped3A = tpu.sem_alloc : memref<!tpu.dma_semaphore, #tpu.memory_space<semaphore_mem>>
      %dma_start3A = arith.constant 0 : i32
      %dma_start3A_28 = tpu.memref_slice %arg10[%add3A_13, %dma_start3A] : memref<10240x128xf32, #tpu.memory_space<vmem_shared>> -> memref<128x128xf32, #tpu.memory_space<vmem_shared>>
      %dma_start3A_29 = arith.constant 0 : i32
      %dma_start3A_30 = tpu.memref_slice %arg10[%add3A_13, %dma_start3A_29] : memref<10240x128xf32, #tpu.memory_space<vmem_shared>> -> memref<128x128xf32, #tpu.memory_space<vmem_shared>>
      tpu.enqueue_dma source(%arg8 : memref<128x128xf32, #tpu.memory_space<vmem>>) target(%dma_start3A_30 : memref<128x128xf32, #tpu.memory_space<vmem_shared>>) target_semaphore(%run_scoped3A : memref<!tpu.dma_semaphore, #tpu.memory_space<semaphore_mem>>)
      %dma_wait3A = arith.constant 0 : i32
      %dma_wait3A_31 = tpu.memref_slice %arg10[%add3A_13, %dma_wait3A] : memref<10240x128xf32, #tpu.memory_space<vmem_shared>> -> memref<128x128xf32, #tpu.memory_space<vmem_shared>>
      %dma_wait3A_32 = arith.constant 0 : i32
      %dma_wait3A_33 = tpu.memref_slice %arg10[%add3A_13, %dma_wait3A_32] : memref<10240x128xf32, #tpu.memory_space<vmem_shared>> -> memref<128x128xf32, #tpu.memory_space<vmem_shared>>
      tpu.wait_dma2 semaphore(%run_scoped3A : memref<!tpu.dma_semaphore, #tpu.memory_space<semaphore_mem>>) src(%arg8 : memref<128x128xf32, #tpu.memory_space<vmem>>) dst(%dma_wait3A_33 : memref<128x128xf32, #tpu.memory_space<vmem_shared>>)
      tpu.yield
    }) : () -> ()
    %add3A_14 = arith.constant 256 : i32
    %add3A_15 = arith.addi %mul3A_9, %add3A_14 : i32
    "tpu.region"() ({
      %run_scoped3A = tpu.sem_alloc : memref<!tpu.dma_semaphore, #tpu.memory_space<semaphore_mem>>
      %dma_start3A = arith.constant 0 : i32
      %dma_start3A_28 = tpu.memref_slice %arg10[%add3A_15, %dma_start3A] : memref<10240x128xf32, #tpu.memory_space<vmem_shared>> -> memref<128x128xf32, #tpu.memory_space<vmem_shared>>
      %dma_start3A_29 = arith.constant 0 : i32
      %dma_start3A_30 = tpu.memref_slice %arg10[%add3A_15, %dma_start3A_29] : memref<10240x128xf32, #tpu.memory_space<vmem_shared>> -> memref<128x128xf32, #tpu.memory_space<vmem_shared>>
      tpu.enqueue_dma source(%arg8 : memref<128x128xf32, #tpu.memory_space<vmem>>) target(%dma_start3A_30 : memref<128x128xf32, #tpu.memory_space<vmem_shared>>) target_semaphore(%run_scoped3A : memref<!tpu.dma_semaphore, #tpu.memory_space<semaphore_mem>>)
      %dma_wait3A = arith.constant 0 : i32
      %dma_wait3A_31 = tpu.memref_slice %arg10[%add3A_15, %dma_wait3A] : memref<10240x128xf32, #tpu.memory_space<vmem_shared>> -> memref<128x128xf32, #tpu.memory_space<vmem_shared>>
      %dma_wait3A_32 = arith.constant 0 : i32
      %dma_wait3A_33 = tpu.memref_slice %arg10[%add3A_15, %dma_wait3A_32] : memref<10240x128xf32, #tpu.memory_space<vmem_shared>> -> memref<128x128xf32, #tpu.memory_space<vmem_shared>>
      tpu.wait_dma2 semaphore(%run_scoped3A : memref<!tpu.dma_semaphore, #tpu.memory_space<semaphore_mem>>) src(%arg8 : memref<128x128xf32, #tpu.memory_space<vmem>>) dst(%dma_wait3A_33 : memref<128x128xf32, #tpu.memory_space<vmem_shared>>)
      tpu.yield
    }) : () -> ()
    %add3A_16 = arith.constant 384 : i32
    %add3A_17 = arith.addi %mul3A_9, %add3A_16 : i32
    "tpu.region"() ({
      %run_scoped3A = tpu.sem_alloc : memref<!tpu.dma_semaphore, #tpu.memory_space<semaphore_mem>>
      %dma_start3A = arith.constant 0 : i32
      %dma_start3A_28 = tpu.memref_slice %arg10[%add3A_17, %dma_start3A] : memref<10240x128xf32, #tpu.memory_space<vmem_shared>> -> memref<128x128xf32, #tpu.memory_space<vmem_shared>>
      %dma_start3A_29 = arith.constant 0 : i32
      %dma_start3A_30 = tpu.memref_slice %arg10[%add3A_17, %dma_start3A_29] : memref<10240x128xf32, #tpu.memory_space<vmem_shared>> -> memref<128x128xf32, #tpu.memory_space<vmem_shared>>
      tpu.enqueue_dma source(%arg8 : memref<128x128xf32, #tpu.memory_space<vmem>>) target(%dma_start3A_30 : memref<128x128xf32, #tpu.memory_space<vmem_shared>>) target_semaphore(%run_scoped3A : memref<!tpu.dma_semaphore, #tpu.memory_space<semaphore_mem>>)
      %dma_wait3A = arith.constant 0 : i32
      %dma_wait3A_31 = tpu.memref_slice %arg10[%add3A_17, %dma_wait3A] : memref<10240x128xf32, #tpu.memory_space<vmem_shared>> -> memref<128x128xf32, #tpu.memory_space<vmem_shared>>
      %dma_wait3A_32 = arith.constant 0 : i32
      %dma_wait3A_33 = tpu.memref_slice %arg10[%add3A_17, %dma_wait3A_32] : memref<10240x128xf32, #tpu.memory_space<vmem_shared>> -> memref<128x128xf32, #tpu.memory_space<vmem_shared>>
      tpu.wait_dma2 semaphore(%run_scoped3A : memref<!tpu.dma_semaphore, #tpu.memory_space<semaphore_mem>>) src(%arg8 : memref<128x128xf32, #tpu.memory_space<vmem>>) dst(%dma_wait3A_33 : memref<128x128xf32, #tpu.memory_space<vmem_shared>>)
      tpu.yield
    }) : () -> ()
    %add3A_18 = arith.constant 512 : i32
    %add3A_19 = arith.addi %mul3A_9, %add3A_18 : i32
    "tpu.region"() ({
      %run_scoped3A = tpu.sem_alloc : memref<!tpu.dma_semaphore, #tpu.memory_space<semaphore_mem>>
      %dma_start3A = arith.constant 0 : i32
      %dma_start3A_28 = tpu.memref_slice %arg10[%add3A_19, %dma_start3A] : memref<10240x128xf32, #tpu.memory_space<vmem_shared>> -> memref<128x128xf32, #tpu.memory_space<vmem_shared>>
      %dma_start3A_29 = arith.constant 0 : i32
      %dma_start3A_30 = tpu.memref_slice %arg10[%add3A_19, %dma_start3A_29] : memref<10240x128xf32, #tpu.memory_space<vmem_shared>> -> memref<128x128xf32, #tpu.memory_space<vmem_shared>>
      tpu.enqueue_dma source(%arg8 : memref<128x128xf32, #tpu.memory_space<vmem>>) target(%dma_start3A_30 : memref<128x128xf32, #tpu.memory_space<vmem_shared>>) target_semaphore(%run_scoped3A : memref<!tpu.dma_semaphore, #tpu.memory_space<semaphore_mem>>)
      %dma_wait3A = arith.constant 0 : i32
      %dma_wait3A_31 = tpu.memref_slice %arg10[%add3A_19, %dma_wait3A] : memref<10240x128xf32, #tpu.memory_space<vmem_shared>> -> memref<128x128xf32, #tpu.memory_space<vmem_shared>>
      %dma_wait3A_32 = arith.constant 0 : i32
      %dma_wait3A_33 = tpu.memref_slice %arg10[%add3A_19, %dma_wait3A_32] : memref<10240x128xf32, #tpu.memory_space<vmem_shared>> -> memref<128x128xf32, #tpu.memory_space<vmem_shared>>
      tpu.wait_dma2 semaphore(%run_scoped3A : memref<!tpu.dma_semaphore, #tpu.memory_space<semaphore_mem>>) src(%arg8 : memref<128x128xf32, #tpu.memory_space<vmem>>) dst(%dma_wait3A_33 : memref<128x128xf32, #tpu.memory_space<vmem_shared>>)
      tpu.yield
    }) : () -> ()
    %barrier3A = arith.constant 0 : index
    tpu.barrier barrier_id(%barrier3A)
    %scan3A_20 = arith.constant 0 : i32
    %scan3A_21 = arith.constant 0 : i32
    %scan3A_22 = arith.constant 2 : i32
    %scan3A_23 = arith.addi %scan3A_21, %scan3A_22 : i32
    %scan3A_24 = arith.constant 1 : i32
    %scan3A_25 = scf.for %scan3A_28 = %scan3A_21 to %scan3A_23 step %scan3A_24 iter_args(%scan3A_29 = %scan3A_20) -> (i32)  : i32 {
      %mul3A_30 = arith.constant 40 : i32
      %mul3A_31 = arith.muli %scan3A_28, %mul3A_30 : i32
      %multiple_of3A = tpu.assume_multiple %mul3A_31, 8 : i32
      "tpu.region"() ({
        %run_scoped3A = tpu.sem_alloc : memref<!tpu.dma_semaphore, #tpu.memory_space<semaphore_mem>>
        %dma_start3A_52 = arith.constant 0 : i32
        %dma_start3A_53 = tpu.memref_slice %arg3[%add3A, %multiple_of3A, %dma_start3A_52] : memref<32x80x128xi32, #tpu.memory_space<hbm>> -> memref<1x40x128xi32, #tpu.memory_space<hbm>>
        %dma_start3A_54 = tpu.memref_squeeze %dma_start3A_53 : memref<1x40x128xi32, #tpu.memory_space<hbm>> -> memref<40x128xi32, #tpu.memory_space<hbm>>
        %dma_start3A_55 = arith.constant 0 : i32
        %dma_start3A_56 = tpu.memref_slice %arg3[%add3A, %multiple_of3A, %dma_start3A_55] : memref<32x80x128xi32, #tpu.memory_space<hbm>> -> memref<1x40x128xi32, #tpu.memory_space<hbm>>
        %dma_start3A_57 = tpu.memref_squeeze %dma_start3A_56 : memref<1x40x128xi32, #tpu.memory_space<hbm>> -> memref<40x128xi32, #tpu.memory_space<hbm>>
        tpu.enqueue_dma source(%dma_start3A_57 : memref<40x128xi32, #tpu.memory_space<hbm>>) target(%arg6 : memref<40x128xi32, #tpu.memory_space<vmem>>) target_semaphore(%run_scoped3A : memref<!tpu.dma_semaphore, #tpu.memory_space<semaphore_mem>>)
        %dma_wait3A_58 = arith.constant 0 : i32
        %dma_wait3A_59 = tpu.memref_slice %arg3[%add3A, %multiple_of3A, %dma_wait3A_58] : memref<32x80x128xi32, #tpu.memory_space<hbm>> -> memref<1x40x128xi32, #tpu.memory_space<hbm>>
        %dma_wait3A_60 = tpu.memref_squeeze %dma_wait3A_59 : memref<1x40x128xi32, #tpu.memory_space<hbm>> -> memref<40x128xi32, #tpu.memory_space<hbm>>
        %dma_wait3A_61 = arith.constant 0 : i32
        %dma_wait3A_62 = tpu.memref_slice %arg3[%add3A, %multiple_of3A, %dma_wait3A_61] : memref<32x80x128xi32, #tpu.memory_space<hbm>> -> memref<1x40x128xi32, #tpu.memory_space<hbm>>
        %dma_wait3A_63 = tpu.memref_squeeze %dma_wait3A_62 : memref<1x40x128xi32, #tpu.memory_space<hbm>> -> memref<40x128xi32, #tpu.memory_space<hbm>>
        tpu.wait_dma2 semaphore(%run_scoped3A : memref<!tpu.dma_semaphore, #tpu.memory_space<semaphore_mem>>) src(%dma_wait3A_63 : memref<40x128xi32, #tpu.memory_space<hbm>>) dst(%arg6 : memref<40x128xi32, #tpu.memory_space<vmem>>)
        tpu.yield
      }) : () -> ()
      "tpu.region"() ({
        %run_scoped3A = tpu.sem_alloc : memref<!tpu.dma_semaphore, #tpu.memory_space<semaphore_mem>>
        %dma_start3A_52 = arith.constant 0 : i32
        %dma_start3A_53 = tpu.memref_slice %arg4[%add3A, %multiple_of3A, %dma_start3A_52] : memref<32x80x128xi32, #tpu.memory_space<hbm>> -> memref<1x40x128xi32, #tpu.memory_space<hbm>>
        %dma_start3A_54 = tpu.memref_squeeze %dma_start3A_53 : memref<1x40x128xi32, #tpu.memory_space<hbm>> -> memref<40x128xi32, #tpu.memory_space<hbm>>
        %dma_start3A_55 = arith.constant 0 : i32
        %dma_start3A_56 = tpu.memref_slice %arg4[%add3A, %multiple_of3A, %dma_start3A_55] : memref<32x80x128xi32, #tpu.memory_space<hbm>> -> memref<1x40x128xi32, #tpu.memory_space<hbm>>
        %dma_start3A_57 = tpu.memref_squeeze %dma_start3A_56 : memref<1x40x128xi32, #tpu.memory_space<hbm>> -> memref<40x128xi32, #tpu.memory_space<hbm>>
        tpu.enqueue_dma source(%dma_start3A_57 : memref<40x128xi32, #tpu.memory_space<hbm>>) target(%arg7 : memref<40x128xi32, #tpu.memory_space<vmem>>) target_semaphore(%run_scoped3A : memref<!tpu.dma_semaphore, #tpu.memory_space<semaphore_mem>>)
        %dma_wait3A_58 = arith.constant 0 : i32
        %dma_wait3A_59 = tpu.memref_slice %arg4[%add3A, %multiple_of3A, %dma_wait3A_58] : memref<32x80x128xi32, #tpu.memory_space<hbm>> -> memref<1x40x128xi32, #tpu.memory_space<hbm>>
        %dma_wait3A_60 = tpu.memref_squeeze %dma_wait3A_59 : memref<1x40x128xi32, #tpu.memory_space<hbm>> -> memref<40x128xi32, #tpu.memory_space<hbm>>
        %dma_wait3A_61 = arith.constant 0 : i32
        %dma_wait3A_62 = tpu.memref_slice %arg4[%add3A, %multiple_of3A, %dma_wait3A_61] : memref<32x80x128xi32, #tpu.memory_space<hbm>> -> memref<1x40x128xi32, #tpu.memory_space<hbm>>
        %dma_wait3A_63 = tpu.memref_squeeze %dma_wait3A_62 : memref<1x40x128xi32, #tpu.memory_space<hbm>> -> memref<40x128xi32, #tpu.memory_space<hbm>>
        tpu.wait_dma2 semaphore(%run_scoped3A : memref<!tpu.dma_semaphore, #tpu.memory_space<semaphore_mem>>) src(%dma_wait3A_63 : memref<40x128xi32, #tpu.memory_space<hbm>>) dst(%arg7 : memref<40x128xi32, #tpu.memory_space<vmem>>)
        tpu.yield
      }) : () -> ()
      %dma_start3A = arith.constant 0 : i32
      %dma_start3A_32 = arith.constant 0 : i32
      %dma_start3A_33 = tpu.memref_slice %arg6[%dma_start3A, %dma_start3A_32] : memref<40x128xi32, #tpu.memory_space<vmem>> -> memref<1x128xi32, #tpu.memory_space<vmem>>
      %dma_start3A_34 = tpu.memref_squeeze %dma_start3A_33 : memref<1x128xi32, #tpu.memory_space<vmem>> -> memref<128xi32, #tpu.memory_space<vmem>>
      %dma_start3A_35 = arith.constant 0 : i32
      %dma_start3A_36 = arith.constant 0 : i32
      %dma_start3A_37 = tpu.memref_slice %arg2[%dma_start3A_35, %dma_start3A_36] : memref<10240x128xf32, #tpu.memory_space<hbm>> -> memref<10240x128xf32, #tpu.memory_space<hbm>>
      tpu.enqueue_indirect_dma source(%dma_start3A_37 : memref<10240x128xf32, #tpu.memory_space<hbm>>) target(%arg8 : memref<128x128xf32, #tpu.memory_space<vmem>>) offsets(%dma_start3A_34 : memref<128xi32, #tpu.memory_space<vmem>>) semaphore(%arg11 : memref<!tpu.dma_semaphore, #tpu.memory_space<semaphore_mem>>)
      %scan3A_38 = arith.constant 0 : i32
      %scan3A_39 = arith.constant 0 : i32
      %scan3A_40 = arith.constant 20 : i32
      %scan3A_41 = arith.addi %scan3A_39, %scan3A_40 : i32
      %scan3A_42 = arith.constant 1 : i32
      %scan3A_43 = scf.for %scan3A_52 = %scan3A_39 to %scan3A_41 step %scan3A_42 iter_args(%scan3A_53 = %scan3A_38) -> (i32)  : i32 {
        %mul3A_54 = arith.constant 2 : i32
        %mul3A_55 = arith.muli %scan3A_52, %mul3A_54 : i32
        %add3A_56 = arith.constant 1 : i32
        %add3A_57 = arith.addi %mul3A_55, %add3A_56 : i32
        %dma_start3A_58 = arith.constant 0 : i32
        %dma_start3A_59 = tpu.memref_slice %arg6[%add3A_57, %dma_start3A_58] : memref<40x128xi32, #tpu.memory_space<vmem>> -> memref<1x128xi32, #tpu.memory_space<vmem>>
        %dma_start3A_60 = tpu.memref_squeeze %dma_start3A_59 : memref<1x128xi32, #tpu.memory_space<vmem>> -> memref<128xi32, #tpu.memory_space<vmem>>
        %dma_start3A_61 = arith.constant 0 : i32
        %dma_start3A_62 = arith.constant 0 : i32
        %dma_start3A_63 = tpu.memref_slice %arg2[%dma_start3A_61, %dma_start3A_62] : memref<10240x128xf32, #tpu.memory_space<hbm>> -> memref<10240x128xf32, #tpu.memory_space<hbm>>
        tpu.enqueue_indirect_dma source(%dma_start3A_63 : memref<10240x128xf32, #tpu.memory_space<hbm>>) target(%arg9 : memref<128x128xf32, #tpu.memory_space<vmem>>) offsets(%dma_start3A_60 : memref<128xi32, #tpu.memory_space<vmem>>) semaphore(%arg12 : memref<!tpu.dma_semaphore, #tpu.memory_space<semaphore_mem>>)
        %dma_wait3A_64 = arith.constant 0 : i32
        %dma_wait3A_65 = arith.constant 0 : i32
        %dma_wait3A_66 = tpu.memref_slice %arg6[%dma_wait3A_64, %dma_wait3A_65] : memref<40x128xi32, #tpu.memory_space<vmem>> -> memref<1x128xi32, #tpu.memory_space<vmem>>
        %dma_wait3A_67 = tpu.memref_squeeze %dma_wait3A_66 : memref<1x128xi32, #tpu.memory_space<vmem>> -> memref<128xi32, #tpu.memory_space<vmem>>
        %dma_wait3A_68 = arith.constant 0 : i32
        %dma_wait3A_69 = arith.constant 0 : i32
        %dma_wait3A_70 = tpu.memref_slice %arg2[%dma_wait3A_68, %dma_wait3A_69] : memref<10240x128xf32, #tpu.memory_space<hbm>> -> memref<10240x128xf32, #tpu.memory_space<hbm>>
        tpu.wait_indirect_dma semaphore(%arg11 : memref<!tpu.dma_semaphore, #tpu.memory_space<semaphore_mem>>) src(%dma_wait3A_70 : memref<10240x128xf32, #tpu.memory_space<hbm>>) dst(%arg8 : memref<128x128xf32, #tpu.memory_space<vmem>>)
        "tpu.region"() ({
          %run_scoped3A = tpu.sem_alloc : memref<!tpu.dma_semaphore, #tpu.memory_space<semaphore_mem>>
          %dma_start3A_88 = arith.constant 0 : i32
          %dma_start3A_89 = tpu.memref_slice %arg7[%mul3A_55, %dma_start3A_88] : memref<40x128xi32, #tpu.memory_space<vmem>> -> memref<1x128xi32, #tpu.memory_space<vmem>>
          %dma_start3A_90 = tpu.memref_squeeze %dma_start3A_89 : memref<1x128xi32, #tpu.memory_space<vmem>> -> memref<128xi32, #tpu.memory_space<vmem>>
          %dma_start3A_91 = arith.constant 0 : i32
          %dma_start3A_92 = arith.constant 0 : i32
          %dma_start3A_93 = tpu.memref_slice %arg10[%dma_start3A_91, %dma_start3A_92] : memref<10240x128xf32, #tpu.memory_space<vmem_shared>> -> memref<10240x128xf32, #tpu.memory_space<vmem_shared>>
          tpu.enqueue_indirect_dma source(%arg8 : memref<128x128xf32, #tpu.memory_space<vmem>>) target(%dma_start3A_93 : memref<10240x128xf32, #tpu.memory_space<vmem_shared>>) offsets(%dma_start3A_90 : memref<128xi32, #tpu.memory_space<vmem>>) semaphore(%run_scoped3A : memref<!tpu.dma_semaphore, #tpu.memory_space<semaphore_mem>>) {add = true}
          %dma_wait3A_94 = arith.constant 0 : i32
          %dma_wait3A_95 = tpu.memref_slice %arg7[%mul3A_55, %dma_wait3A_94] : memref<40x128xi32, #tpu.memory_space<vmem>> -> memref<1x128xi32, #tpu.memory_space<vmem>>
          %dma_wait3A_96 = tpu.memref_squeeze %dma_wait3A_95 : memref<1x128xi32, #tpu.memory_space<vmem>> -> memref<128xi32, #tpu.memory_space<vmem>>
          %dma_wait3A_97 = arith.constant 0 : i32
          %dma_wait3A_98 = arith.constant 0 : i32
          %dma_wait3A_99 = tpu.memref_slice %arg10[%dma_wait3A_97, %dma_wait3A_98] : memref<10240x128xf32, #tpu.memory_space<vmem_shared>> -> memref<10240x128xf32, #tpu.memory_space<vmem_shared>>
          tpu.wait_indirect_dma semaphore(%run_scoped3A : memref<!tpu.dma_semaphore, #tpu.memory_space<semaphore_mem>>) src(%arg8 : memref<128x128xf32, #tpu.memory_space<vmem>>) dst(%dma_wait3A_99 : memref<10240x128xf32, #tpu.memory_space<vmem_shared>>)
          tpu.yield
        }) : () -> ()
        %add3A_71 = arith.constant 2 : i32
        %add3A_72 = arith.addi %mul3A_55, %add3A_71 : i32
        %rem3A = arith.constant 40 : i32
        %rem3A_73 = arith.remsi %add3A_72, %rem3A : i32
        %dma_start3A_74 = arith.constant 0 : i32
        %dma_start3A_75 = tpu.memref_slice %arg6[%rem3A_73, %dma_start3A_74] : memref<40x128xi32, #tpu.memory_space<vmem>> -> memref<1x128xi32, #tpu.memory_space<vmem>>
        %dma_start3A_76 = tpu.memref_squeeze %dma_start3A_75 : memref<1x128xi32, #tpu.memory_space<vmem>> -> memref<128xi32, #tpu.memory_space<vmem>>
        %dma_start3A_77 = arith.constant 0 : i32
        %dma_start3A_78 = arith.constant 0 : i32
        %dma_start3A_79 = tpu.memref_slice %arg2[%dma_start3A_77, %dma_start3A_78] : memref<10240x128xf32, #tpu.memory_space<hbm>> -> memref<10240x128xf32, #tpu.memory_space<hbm>>
        tpu.enqueue_indirect_dma source(%dma_start3A_79 : memref<10240x128xf32, #tpu.memory_space<hbm>>) target(%arg8 : memref<128x128xf32, #tpu.memory_space<vmem>>) offsets(%dma_start3A_76 : memref<128xi32, #tpu.memory_space<vmem>>) semaphore(%arg11 : memref<!tpu.dma_semaphore, #tpu.memory_space<semaphore_mem>>)
        %dma_wait3A_80 = arith.constant 0 : i32
        %dma_wait3A_81 = arith.constant 0 : i32
        %dma_wait3A_82 = tpu.memref_slice %arg6[%dma_wait3A_80, %dma_wait3A_81] : memref<40x128xi32, #tpu.memory_space<vmem>> -> memref<1x128xi32, #tpu.memory_space<vmem>>
        %dma_wait3A_83 = tpu.memref_squeeze %dma_wait3A_82 : memref<1x128xi32, #tpu.memory_space<vmem>> -> memref<128xi32, #tpu.memory_space<vmem>>
        %dma_wait3A_84 = arith.constant 0 : i32
        %dma_wait3A_85 = arith.constant 0 : i32
        %dma_wait3A_86 = tpu.memref_slice %arg2[%dma_wait3A_84, %dma_wait3A_85] : memref<10240x128xf32, #tpu.memory_space<hbm>> -> memref<10240x128xf32, #tpu.memory_space<hbm>>
        tpu.wait_indirect_dma semaphore(%arg12 : memref<!tpu.dma_semaphore, #tpu.memory_space<semaphore_mem>>) src(%dma_wait3A_86 : memref<10240x128xf32, #tpu.memory_space<hbm>>) dst(%arg9 : memref<128x128xf32, #tpu.memory_space<vmem>>)
        "tpu.region"() ({
          %run_scoped3A = tpu.sem_alloc : memref<!tpu.dma_semaphore, #tpu.memory_space<semaphore_mem>>
          %dma_start3A_88 = arith.constant 0 : i32
          %dma_start3A_89 = tpu.memref_slice %arg7[%add3A_57, %dma_start3A_88] : memref<40x128xi32, #tpu.memory_space<vmem>> -> memref<1x128xi32, #tpu.memory_space<vmem>>
          %dma_start3A_90 = tpu.memref_squeeze %dma_start3A_89 : memref<1x128xi32, #tpu.memory_space<vmem>> -> memref<128xi32, #tpu.memory_space<vmem>>
          %dma_start3A_91 = arith.constant 0 : i32
          %dma_start3A_92 = arith.constant 0 : i32
          %dma_start3A_93 = tpu.memref_slice %arg10[%dma_start3A_91, %dma_start3A_92] : memref<10240x128xf32, #tpu.memory_space<vmem_shared>> -> memref<10240x128xf32, #tpu.memory_space<vmem_shared>>
          tpu.enqueue_indirect_dma source(%arg9 : memref<128x128xf32, #tpu.memory_space<vmem>>) target(%dma_start3A_93 : memref<10240x128xf32, #tpu.memory_space<vmem_shared>>) offsets(%dma_start3A_90 : memref<128xi32, #tpu.memory_space<vmem>>) semaphore(%run_scoped3A : memref<!tpu.dma_semaphore, #tpu.memory_space<semaphore_mem>>) {add = true}
          %dma_wait3A_94 = arith.constant 0 : i32
          %dma_wait3A_95 = tpu.memref_slice %arg7[%add3A_57, %dma_wait3A_94] : memref<40x128xi32, #tpu.memory_space<vmem>> -> memref<1x128xi32, #tpu.memory_space<vmem>>
          %dma_wait3A_96 = tpu.memref_squeeze %dma_wait3A_95 : memref<1x128xi32, #tpu.memory_space<vmem>> -> memref<128xi32, #tpu.memory_space<vmem>>
          %dma_wait3A_97 = arith.constant 0 : i32
          %dma_wait3A_98 = arith.constant 0 : i32
          %dma_wait3A_99 = tpu.memref_slice %arg10[%dma_wait3A_97, %dma_wait3A_98] : memref<10240x128xf32, #tpu.memory_space<vmem_shared>> -> memref<10240x128xf32, #tpu.memory_space<vmem_shared>>
          tpu.wait_indirect_dma semaphore(%run_scoped3A : memref<!tpu.dma_semaphore, #tpu.memory_space<semaphore_mem>>) src(%arg9 : memref<128x128xf32, #tpu.memory_space<vmem>>) dst(%dma_wait3A_99 : memref<10240x128xf32, #tpu.memory_space<vmem_shared>>)
          tpu.yield
        }) : () -> ()
        %scan3A_87 = arith.constant 0 : i32
        scf.yield %scan3A_87 : i32
      }
      %scan3A_44 = arith.constant 20 : i32
      %dma_wait3A = arith.constant 0 : i32
      %dma_wait3A_45 = arith.constant 0 : i32
      %dma_wait3A_46 = tpu.memref_slice %arg6[%dma_wait3A, %dma_wait3A_45] : memref<40x128xi32, #tpu.memory_space<vmem>> -> memref<1x128xi32, #tpu.memory_space<vmem>>
      %dma_wait3A_47 = tpu.memref_squeeze %dma_wait3A_46 : memref<1x128xi32, #tpu.memory_space<vmem>> -> memref<128xi32, #tpu.memory_space<vmem>>
      %dma_wait3A_48 = arith.constant 0 : i32
      %dma_wait3A_49 = arith.constant 0 : i32
      %dma_wait3A_50 = tpu.memref_slice %arg2[%dma_wait3A_48, %dma_wait3A_49] : memref<10240x128xf32, #tpu.memory_space<hbm>> -> memref<10240x128xf32, #tpu.memory_space<hbm>>
      tpu.wait_indirect_dma semaphore(%arg11 : memref<!tpu.dma_semaphore, #tpu.memory_space<semaphore_mem>>) src(%dma_wait3A_50 : memref<10240x128xf32, #tpu.memory_space<hbm>>) dst(%arg8 : memref<128x128xf32, #tpu.memory_space<vmem>>)
      %scan3A_51 = arith.constant 0 : i32
      scf.yield %scan3A_51 : i32
    }
    %scan3A_26 = arith.constant 2 : i32
    %barrier3A_27 = arith.constant 0 : index
    tpu.barrier barrier_id(%barrier3A_27)
    "tpu.region"() ({
      %run_scoped3A = tpu.sem_alloc : memref<!tpu.dma_semaphore, #tpu.memory_space<semaphore_mem>>
      %dma_start3A = arith.constant 0 : i32
      %dma_start3A_28 = tpu.memref_slice %arg5[%arg0, %mul3A_9, %dma_start3A] : memref<2x10240x128xf32, #tpu.memory_space<hbm>> -> memref<1x640x128xf32, #tpu.memory_space<hbm>>
      %dma_start3A_29 = tpu.memref_squeeze %dma_start3A_28 : memref<1x640x128xf32, #tpu.memory_space<hbm>> -> memref<640x128xf32, #tpu.memory_space<hbm>>
      %dma_start3A_30 = arith.constant 0 : i32
      %dma_start3A_31 = tpu.memref_slice %arg10[%mul3A_9, %dma_start3A_30] : memref<10240x128xf32, #tpu.memory_space<vmem_shared>> -> memref<640x128xf32, #tpu.memory_space<vmem_shared>>
      tpu.enqueue_dma source(%dma_start3A_31 : memref<640x128xf32, #tpu.memory_space<vmem_shared>>) target(%dma_start3A_29 : memref<640x128xf32, #tpu.memory_space<hbm>>) target_semaphore(%run_scoped3A : memref<!tpu.dma_semaphore, #tpu.memory_space<semaphore_mem>>)
      %dma_wait3A = arith.constant 0 : i32
      %dma_wait3A_32 = tpu.memref_slice %arg5[%arg0, %mul3A_9, %dma_wait3A] : memref<2x10240x128xf32, #tpu.memory_space<hbm>> -> memref<1x640x128xf32, #tpu.memory_space<hbm>>
      %dma_wait3A_33 = tpu.memref_squeeze %dma_wait3A_32 : memref<1x640x128xf32, #tpu.memory_space<hbm>> -> memref<640x128xf32, #tpu.memory_space<hbm>>
      %dma_wait3A_34 = arith.constant 0 : i32
      %dma_wait3A_35 = tpu.memref_slice %arg10[%mul3A_9, %dma_wait3A_34] : memref<10240x128xf32, #tpu.memory_space<vmem_shared>> -> memref<640x128xf32, #tpu.memory_space<vmem_shared>>
      tpu.wait_dma2 semaphore(%run_scoped3A : memref<!tpu.dma_semaphore, #tpu.memory_space<semaphore_mem>>) src(%dma_wait3A_35 : memref<640x128xf32, #tpu.memory_space<vmem_shared>>) dst(%dma_wait3A_33 : memref<640x128xf32, #tpu.memory_space<hbm>>)
      tpu.yield
    }) : () -> ()
    return
  }
}

#map = affine_map<(d0, d1) -> (0, 0)>
#map1 = affine_map<(d0, d1) -> (0, 0, 0)>
module attributes {stable_mosaic.version = 14 : i64} {
  func.func @agg_kernel(%arg0: i32, %arg1: i32, %arg2: memref<10240x128xf32, #tpu.memory_space<hbm>>, %arg3: memref<32x80x128xi32, #tpu.memory_space<hbm>>, %arg4: memref<32x80x128xi32, #tpu.memory_space<hbm>>, %arg5: memref<2x10240x128xf32, #tpu.memory_space<hbm>>, %arg6: memref<40x128xi32, #tpu.memory_space<vmem>>, %arg7: memref<40x128xi32, #tpu.memory_space<vmem>>, %arg8: memref<128x128xf32, #tpu.memory_space<vmem>>, %arg9: memref<128x128xf32, #tpu.memory_space<vmem>>, %arg10: memref<10240x128xf32, #tpu.memory_space<vmem_shared>>, %arg11: memref<!tpu.dma_semaphore, #tpu.memory_space<semaphore_mem>>, %arg12: memref<!tpu.dma_semaphore, #tpu.memory_space<semaphore_mem>>) attributes {dimension_semantics = [#tpu.dimension_semantics<core_parallel>, #tpu.dimension_semantics<subcore_parallel>], iteration_bounds = array<i64: 2, 16>, scalar_prefetch = 0 : i64, scratch_operands = 7 : i64, tpu.core_type = #tpu.core_type<sc_vector_subcore>, window_params = [{transform_indices = #map}, {transform_indices = #map1}, {transform_indices = #map1}, {transform_indices = #map1}]} {
    %mul3A = arith.constant 2 : i32
    %mul3A_0 = arith.muli %arg1, %mul3A : i32
    %add3A = arith.addi %mul3A_0, %arg0 : i32
    %broadcast_in_dim3A = arith.constant 0.000000e+00 : f32
    %broadcast_in_dim3A_1 = vector.broadcast %broadcast_in_dim3A : f32 to vector<16xf32>
    %scan3A = arith.constant 0 : i32
    %scan3A_2 = arith.constant 0 : i32
    %scan3A_3 = arith.constant 1024 : i32
    %scan3A_4 = arith.addi %scan3A_2, %scan3A_3 : i32
    %scan3A_5 = arith.constant 1 : i32
    %scan3A_6 = scf.for %scan3A_28 = %scan3A_2 to %scan3A_4 step %scan3A_5 iter_args(%scan3A_29 = %scan3A) -> (i32)  : i32 {
      %jit3A = arith.constant 8 : i32
      %div3A = arith.divsi %scan3A_28, %jit3A : i32
      %sign3A = arith.constant 0 : i32
      %sign3A_30 = arith.cmpi sgt, %scan3A_28, %sign3A : i32
      %sign3A_31 = arith.extui %sign3A_30 : i1 to i32
      %sign3A_32 = arith.constant 0 : i32
      %sign3A_33 = arith.cmpi slt, %scan3A_28, %sign3A_32 : i32
      %sign3A_34 = arith.extui %sign3A_33 : i1 to i32
      %sign3A_35 = arith.subi %sign3A_31, %sign3A_34 : i32
      %sign3A_36 = arith.constant 0 : i32
      %sign3A_37 = arith.cmpi sgt, %jit3A, %sign3A_36 : i32
      %sign3A_38 = arith.extui %sign3A_37 : i1 to i32
      %sign3A_39 = arith.constant 0 : i32
      %sign3A_40 = arith.cmpi slt, %jit3A, %sign3A_39 : i32
      %sign3A_41 = arith.extui %sign3A_40 : i1 to i32
      %sign3A_42 = arith.subi %sign3A_38, %sign3A_41 : i32
      %ne3A = arith.cmpi ne, %sign3A_35, %sign3A_42 : i32
      %rem3A = arith.remsi %scan3A_28, %jit3A : i32
      %ne3A_43 = arith.constant 0 : i32
      %ne3A_44 = arith.cmpi ne, %rem3A, %ne3A_43 : i32
      %and3A = arith.andi %ne3A, %ne3A_44 : i1
      %sub3A = arith.constant 1 : i32
      %sub3A_45 = arith.subi %div3A, %sub3A : i32
      %select_n3A = arith.select %and3A, %sub3A_45, %div3A : i32
      %jit3A_46 = arith.constant 8 : i32
      %eq3A = arith.constant 0 : i32
      %eq3A_47 = arith.cmpi eq, %jit3A_46, %eq3A : i32
      %jit3A_48 = arith.constant 1 : i32
      %select_n3A_49 = arith.select %eq3A_47, %jit3A_48, %jit3A_46 : i32
      %rem3A_50 = arith.remsi %scan3A_28, %select_n3A_49 : i32
      %ne3A_51 = arith.constant 0 : i32
      %ne3A_52 = arith.cmpi ne, %rem3A_50, %ne3A_51 : i32
      %lt3A = arith.constant 0 : i32
      %lt3A_53 = arith.cmpi slt, %rem3A_50, %lt3A : i32
      %lt3A_54 = arith.constant 0 : i32
      %lt3A_55 = arith.cmpi slt, %select_n3A_49, %lt3A_54 : i32
      %ne3A_56 = arith.xori %lt3A_53, %lt3A_55 : i1
      %and3A_57 = arith.andi %ne3A_56, %ne3A_52 : i1
      %add3A_58 = arith.addi %rem3A_50, %select_n3A_49 : i32
      %select_n3A_59 = arith.select %and3A_57, %add3A_58, %rem3A_50 : i32
      %mul3A_60 = arith.constant 16 : i32
      %mul3A_61 = arith.muli %select_n3A_59, %mul3A_60 : i32
      %swap3A = arith.index_cast %select_n3A : i32 to index
      %swap3A_62 = arith.index_cast %mul3A_61 : i32 to index
      %swap3A_63 = tpu.vector_load %arg8[%swap3A, %swap3A_62] {strides = array<i32>} : memref<128x128xf32, #tpu.memory_space<vmem>>, vector<1x16xf32>,
      %swap3A_64 = vector.shape_cast %swap3A_63 : vector<1x16xf32> to vector<16xf32>
      %swap3A_65 = vector.shape_cast %broadcast_in_dim3A_1 : vector<16xf32> to vector<1x16xf32>
      tpu.vector_store %arg8[%swap3A, %swap3A_62], %swap3A_65 {strides = array<i32>} : memref<128x128xf32, #tpu.memory_space<vmem>>, vector<1x16xf32>,
      %scan3A_66 = arith.constant 0 : i32
      scf.yield %scan3A_66 : i32
    }
    %scan3A_7 = arith.constant 1024 : i32
    %mul3A_8 = arith.constant 640 : i32
    %mul3A_9 = arith.muli %arg1, %mul3A_8 : i32
    %add3A_10 = arith.constant 0 : i32
    %add3A_11 = arith.addi %mul3A_9, %add3A_10 : i32
    "tpu.region"() ({
      %run_scoped3A = tpu.sem_alloc : memref<!tpu.dma_semaphore, #tpu.memory_space<semaphore_mem>>
      %dma_start3A = arith.constant 0 : i32
      %dma_start3A_28 = tpu.memref_slice %arg10[%add3A_11, %dma_start3A] : memref<10240x128xf32, #tpu.memory_space<vmem_shared>> -> memref<128x128xf32, #tpu.memory_space<vmem_shared>>
      %dma_start3A_29 = arith.constant 0 : i32
      %dma_start3A_30 = tpu.memref_slice %arg10[%add3A_11, %dma_start3A_29] : memref<10240x128xf32, #tpu.memory_space<vmem_shared>> -> memref<128x128xf32, #tpu.memory_space<vmem_shared>>
      tpu.enqueue_dma source(%arg8 : memref<128x128xf32, #tpu.memory_space<vmem>>) target(%dma_start3A_30 : memref<128x128xf32, #tpu.memory_space<vmem_shared>>) target_semaphore(%run_scoped3A : memref<!tpu.dma_semaphore, #tpu.memory_space<semaphore_mem>>)
      %dma_wait3A = arith.constant 0 : i32
      %dma_wait3A_31 = tpu.memref_slice %arg10[%add3A_11, %dma_wait3A] : memref<10240x128xf32, #tpu.memory_space<vmem_shared>> -> memref<128x128xf32, #tpu.memory_space<vmem_shared>>
      %dma_wait3A_32 = arith.constant 0 : i32
      %dma_wait3A_33 = tpu.memref_slice %arg10[%add3A_11, %dma_wait3A_32] : memref<10240x128xf32, #tpu.memory_space<vmem_shared>> -> memref<128x128xf32, #tpu.memory_space<vmem_shared>>
      tpu.wait_dma2 semaphore(%run_scoped3A : memref<!tpu.dma_semaphore, #tpu.memory_space<semaphore_mem>>) src(%arg8 : memref<128x128xf32, #tpu.memory_space<vmem>>) dst(%dma_wait3A_33 : memref<128x128xf32, #tpu.memory_space<vmem_shared>>)
      tpu.yield
    }) : () -> ()
    %add3A_12 = arith.constant 128 : i32
    %add3A_13 = arith.addi %mul3A_9, %add3A_12 : i32
    "tpu.region"() ({
      %run_scoped3A = tpu.sem_alloc : memref<!tpu.dma_semaphore, #tpu.memory_space<semaphore_mem>>
      %dma_start3A = arith.constant 0 : i32
      %dma_start3A_28 = tpu.memref_slice %arg10[%add3A_13, %dma_start3A] : memref<10240x128xf32, #tpu.memory_space<vmem_shared>> -> memref<128x128xf32, #tpu.memory_space<vmem_shared>>
      %dma_start3A_29 = arith.constant 0 : i32
      %dma_start3A_30 = tpu.memref_slice %arg10[%add3A_13, %dma_start3A_29] : memref<10240x128xf32, #tpu.memory_space<vmem_shared>> -> memref<128x128xf32, #tpu.memory_space<vmem_shared>>
      tpu.enqueue_dma source(%arg8 : memref<128x128xf32, #tpu.memory_space<vmem>>) target(%dma_start3A_30 : memref<128x128xf32, #tpu.memory_space<vmem_shared>>) target_semaphore(%run_scoped3A : memref<!tpu.dma_semaphore, #tpu.memory_space<semaphore_mem>>)
      %dma_wait3A = arith.constant 0 : i32
      %dma_wait3A_31 = tpu.memref_slice %arg10[%add3A_13, %dma_wait3A] : memref<10240x128xf32, #tpu.memory_space<vmem_shared>> -> memref<128x128xf32, #tpu.memory_space<vmem_shared>>
      %dma_wait3A_32 = arith.constant 0 : i32
      %dma_wait3A_33 = tpu.memref_slice %arg10[%add3A_13, %dma_wait3A_32] : memref<10240x128xf32, #tpu.memory_space<vmem_shared>> -> memref<128x128xf32, #tpu.memory_space<vmem_shared>>
      tpu.wait_dma2 semaphore(%run_scoped3A : memref<!tpu.dma_semaphore, #tpu.memory_space<semaphore_mem>>) src(%arg8 : memref<128x128xf32, #tpu.memory_space<vmem>>) dst(%dma_wait3A_33 : memref<128x128xf32, #tpu.memory_space<vmem_shared>>)
      tpu.yield
    }) : () -> ()
    %add3A_14 = arith.constant 256 : i32
    %add3A_15 = arith.addi %mul3A_9, %add3A_14 : i32
    "tpu.region"() ({
      %run_scoped3A = tpu.sem_alloc : memref<!tpu.dma_semaphore, #tpu.memory_space<semaphore_mem>>
      %dma_start3A = arith.constant 0 : i32
      %dma_start3A_28 = tpu.memref_slice %arg10[%add3A_15, %dma_start3A] : memref<10240x128xf32, #tpu.memory_space<vmem_shared>> -> memref<128x128xf32, #tpu.memory_space<vmem_shared>>
      %dma_start3A_29 = arith.constant 0 : i32
      %dma_start3A_30 = tpu.memref_slice %arg10[%add3A_15, %dma_start3A_29] : memref<10240x128xf32, #tpu.memory_space<vmem_shared>> -> memref<128x128xf32, #tpu.memory_space<vmem_shared>>
      tpu.enqueue_dma source(%arg8 : memref<128x128xf32, #tpu.memory_space<vmem>>) target(%dma_start3A_30 : memref<128x128xf32, #tpu.memory_space<vmem_shared>>) target_semaphore(%run_scoped3A : memref<!tpu.dma_semaphore, #tpu.memory_space<semaphore_mem>>)
      %dma_wait3A = arith.constant 0 : i32
      %dma_wait3A_31 = tpu.memref_slice %arg10[%add3A_15, %dma_wait3A] : memref<10240x128xf32, #tpu.memory_space<vmem_shared>> -> memref<128x128xf32, #tpu.memory_space<vmem_shared>>
      %dma_wait3A_32 = arith.constant 0 : i32
      %dma_wait3A_33 = tpu.memref_slice %arg10[%add3A_15, %dma_wait3A_32] : memref<10240x128xf32, #tpu.memory_space<vmem_shared>> -> memref<128x128xf32, #tpu.memory_space<vmem_shared>>
      tpu.wait_dma2 semaphore(%run_scoped3A : memref<!tpu.dma_semaphore, #tpu.memory_space<semaphore_mem>>) src(%arg8 : memref<128x128xf32, #tpu.memory_space<vmem>>) dst(%dma_wait3A_33 : memref<128x128xf32, #tpu.memory_space<vmem_shared>>)
      tpu.yield
    }) : () -> ()
    %add3A_16 = arith.constant 384 : i32
    %add3A_17 = arith.addi %mul3A_9, %add3A_16 : i32
    "tpu.region"() ({
      %run_scoped3A = tpu.sem_alloc : memref<!tpu.dma_semaphore, #tpu.memory_space<semaphore_mem>>
      %dma_start3A = arith.constant 0 : i32
      %dma_start3A_28 = tpu.memref_slice %arg10[%add3A_17, %dma_start3A] : memref<10240x128xf32, #tpu.memory_space<vmem_shared>> -> memref<128x128xf32, #tpu.memory_space<vmem_shared>>
      %dma_start3A_29 = arith.constant 0 : i32
      %dma_start3A_30 = tpu.memref_slice %arg10[%add3A_17, %dma_start3A_29] : memref<10240x128xf32, #tpu.memory_space<vmem_shared>> -> memref<128x128xf32, #tpu.memory_space<vmem_shared>>
      tpu.enqueue_dma source(%arg8 : memref<128x128xf32, #tpu.memory_space<vmem>>) target(%dma_start3A_30 : memref<128x128xf32, #tpu.memory_space<vmem_shared>>) target_semaphore(%run_scoped3A : memref<!tpu.dma_semaphore, #tpu.memory_space<semaphore_mem>>)
      %dma_wait3A = arith.constant 0 : i32
      %dma_wait3A_31 = tpu.memref_slice %arg10[%add3A_17, %dma_wait3A] : memref<10240x128xf32, #tpu.memory_space<vmem_shared>> -> memref<128x128xf32, #tpu.memory_space<vmem_shared>>
      %dma_wait3A_32 = arith.constant 0 : i32
      %dma_wait3A_33 = tpu.memref_slice %arg10[%add3A_17, %dma_wait3A_32] : memref<10240x128xf32, #tpu.memory_space<vmem_shared>> -> memref<128x128xf32, #tpu.memory_space<vmem_shared>>
      tpu.wait_dma2 semaphore(%run_scoped3A : memref<!tpu.dma_semaphore, #tpu.memory_space<semaphore_mem>>) src(%arg8 : memref<128x128xf32, #tpu.memory_space<vmem>>) dst(%dma_wait3A_33 : memref<128x128xf32, #tpu.memory_space<vmem_shared>>)
      tpu.yield
    }) : () -> ()
    %add3A_18 = arith.constant 512 : i32
    %add3A_19 = arith.addi %mul3A_9, %add3A_18 : i32
    "tpu.region"() ({
      %run_scoped3A = tpu.sem_alloc : memref<!tpu.dma_semaphore, #tpu.memory_space<semaphore_mem>>
      %dma_start3A = arith.constant 0 : i32
      %dma_start3A_28 = tpu.memref_slice %arg10[%add3A_19, %dma_start3A] : memref<10240x128xf32, #tpu.memory_space<vmem_shared>> -> memref<128x128xf32, #tpu.memory_space<vmem_shared>>
      %dma_start3A_29 = arith.constant 0 : i32
      %dma_start3A_30 = tpu.memref_slice %arg10[%add3A_19, %dma_start3A_29] : memref<10240x128xf32, #tpu.memory_space<vmem_shared>> -> memref<128x128xf32, #tpu.memory_space<vmem_shared>>
      tpu.enqueue_dma source(%arg8 : memref<128x128xf32, #tpu.memory_space<vmem>>) target(%dma_start3A_30 : memref<128x128xf32, #tpu.memory_space<vmem_shared>>) target_semaphore(%run_scoped3A : memref<!tpu.dma_semaphore, #tpu.memory_space<semaphore_mem>>)
      %dma_wait3A = arith.constant 0 : i32
      %dma_wait3A_31 = tpu.memref_slice %arg10[%add3A_19, %dma_wait3A] : memref<10240x128xf32, #tpu.memory_space<vmem_shared>> -> memref<128x128xf32, #tpu.memory_space<vmem_shared>>
      %dma_wait3A_32 = arith.constant 0 : i32
      %dma_wait3A_33 = tpu.memref_slice %arg10[%add3A_19, %dma_wait3A_32] : memref<10240x128xf32, #tpu.memory_space<vmem_shared>> -> memref<128x128xf32, #tpu.memory_space<vmem_shared>>
      tpu.wait_dma2 semaphore(%run_scoped3A : memref<!tpu.dma_semaphore, #tpu.memory_space<semaphore_mem>>) src(%arg8 : memref<128x128xf32, #tpu.memory_space<vmem>>) dst(%dma_wait3A_33 : memref<128x128xf32, #tpu.memory_space<vmem_shared>>)
      tpu.yield
    }) : () -> ()
    %barrier3A = arith.constant 0 : index
    tpu.barrier barrier_id(%barrier3A)
    %scan3A_20 = arith.constant 0 : i32
    %scan3A_21 = arith.constant 0 : i32
    %scan3A_22 = arith.constant 2 : i32
    %scan3A_23 = arith.addi %scan3A_21, %scan3A_22 : i32
    %scan3A_24 = arith.constant 1 : i32
    %scan3A_25 = scf.for %scan3A_28 = %scan3A_21 to %scan3A_23 step %scan3A_24 iter_args(%scan3A_29 = %scan3A_20) -> (i32)  : i32 {
      %mul3A_30 = arith.constant 40 : i32
      %mul3A_31 = arith.muli %scan3A_28, %mul3A_30 : i32
      %multiple_of3A = tpu.assume_multiple %mul3A_31, 8 : i32
      "tpu.region"() ({
        %run_scoped3A = tpu.sem_alloc : memref<!tpu.dma_semaphore, #tpu.memory_space<semaphore_mem>>
        %dma_start3A_52 = arith.constant 0 : i32
        %dma_start3A_53 = tpu.memref_slice %arg3[%add3A, %multiple_of3A, %dma_start3A_52] : memref<32x80x128xi32, #tpu.memory_space<hbm>> -> memref<1x40x128xi32, #tpu.memory_space<hbm>>
        %dma_start3A_54 = tpu.memref_squeeze %dma_start3A_53 : memref<1x40x128xi32, #tpu.memory_space<hbm>> -> memref<40x128xi32, #tpu.memory_space<hbm>>
        %dma_start3A_55 = arith.constant 0 : i32
        %dma_start3A_56 = tpu.memref_slice %arg3[%add3A, %multiple_of3A, %dma_start3A_55] : memref<32x80x128xi32, #tpu.memory_space<hbm>> -> memref<1x40x128xi32, #tpu.memory_space<hbm>>
        %dma_start3A_57 = tpu.memref_squeeze %dma_start3A_56 : memref<1x40x128xi32, #tpu.memory_space<hbm>> -> memref<40x128xi32, #tpu.memory_space<hbm>>
        tpu.enqueue_dma source(%dma_start3A_57 : memref<40x128xi32, #tpu.memory_space<hbm>>) target(%arg6 : memref<40x128xi32, #tpu.memory_space<vmem>>) target_semaphore(%run_scoped3A : memref<!tpu.dma_semaphore, #tpu.memory_space<semaphore_mem>>)
        %dma_wait3A_58 = arith.constant 0 : i32
        %dma_wait3A_59 = tpu.memref_slice %arg3[%add3A, %multiple_of3A, %dma_wait3A_58] : memref<32x80x128xi32, #tpu.memory_space<hbm>> -> memref<1x40x128xi32, #tpu.memory_space<hbm>>
        %dma_wait3A_60 = tpu.memref_squeeze %dma_wait3A_59 : memref<1x40x128xi32, #tpu.memory_space<hbm>> -> memref<40x128xi32, #tpu.memory_space<hbm>>
        %dma_wait3A_61 = arith.constant 0 : i32
        %dma_wait3A_62 = tpu.memref_slice %arg3[%add3A, %multiple_of3A, %dma_wait3A_61] : memref<32x80x128xi32, #tpu.memory_space<hbm>> -> memref<1x40x128xi32, #tpu.memory_space<hbm>>
        %dma_wait3A_63 = tpu.memref_squeeze %dma_wait3A_62 : memref<1x40x128xi32, #tpu.memory_space<hbm>> -> memref<40x128xi32, #tpu.memory_space<hbm>>
        tpu.wait_dma2 semaphore(%run_scoped3A : memref<!tpu.dma_semaphore, #tpu.memory_space<semaphore_mem>>) src(%dma_wait3A_63 : memref<40x128xi32, #tpu.memory_space<hbm>>) dst(%arg6 : memref<40x128xi32, #tpu.memory_space<vmem>>)
        tpu.yield
      }) : () -> ()
      "tpu.region"() ({
        %run_scoped3A = tpu.sem_alloc : memref<!tpu.dma_semaphore, #tpu.memory_space<semaphore_mem>>
        %dma_start3A_52 = arith.constant 0 : i32
        %dma_start3A_53 = tpu.memref_slice %arg4[%add3A, %multiple_of3A, %dma_start3A_52] : memref<32x80x128xi32, #tpu.memory_space<hbm>> -> memref<1x40x128xi32, #tpu.memory_space<hbm>>
        %dma_start3A_54 = tpu.memref_squeeze %dma_start3A_53 : memref<1x40x128xi32, #tpu.memory_space<hbm>> -> memref<40x128xi32, #tpu.memory_space<hbm>>
        %dma_start3A_55 = arith.constant 0 : i32
        %dma_start3A_56 = tpu.memref_slice %arg4[%add3A, %multiple_of3A, %dma_start3A_55] : memref<32x80x128xi32, #tpu.memory_space<hbm>> -> memref<1x40x128xi32, #tpu.memory_space<hbm>>
        %dma_start3A_57 = tpu.memref_squeeze %dma_start3A_56 : memref<1x40x128xi32, #tpu.memory_space<hbm>> -> memref<40x128xi32, #tpu.memory_space<hbm>>
        tpu.enqueue_dma source(%dma_start3A_57 : memref<40x128xi32, #tpu.memory_space<hbm>>) target(%arg7 : memref<40x128xi32, #tpu.memory_space<vmem>>) target_semaphore(%run_scoped3A : memref<!tpu.dma_semaphore, #tpu.memory_space<semaphore_mem>>)
        %dma_wait3A_58 = arith.constant 0 : i32
        %dma_wait3A_59 = tpu.memref_slice %arg4[%add3A, %multiple_of3A, %dma_wait3A_58] : memref<32x80x128xi32, #tpu.memory_space<hbm>> -> memref<1x40x128xi32, #tpu.memory_space<hbm>>
        %dma_wait3A_60 = tpu.memref_squeeze %dma_wait3A_59 : memref<1x40x128xi32, #tpu.memory_space<hbm>> -> memref<40x128xi32, #tpu.memory_space<hbm>>
        %dma_wait3A_61 = arith.constant 0 : i32
        %dma_wait3A_62 = tpu.memref_slice %arg4[%add3A, %multiple_of3A, %dma_wait3A_61] : memref<32x80x128xi32, #tpu.memory_space<hbm>> -> memref<1x40x128xi32, #tpu.memory_space<hbm>>
        %dma_wait3A_63 = tpu.memref_squeeze %dma_wait3A_62 : memref<1x40x128xi32, #tpu.memory_space<hbm>> -> memref<40x128xi32, #tpu.memory_space<hbm>>
        tpu.wait_dma2 semaphore(%run_scoped3A : memref<!tpu.dma_semaphore, #tpu.memory_space<semaphore_mem>>) src(%dma_wait3A_63 : memref<40x128xi32, #tpu.memory_space<hbm>>) dst(%arg7 : memref<40x128xi32, #tpu.memory_space<vmem>>)
        tpu.yield
      }) : () -> ()
      %dma_start3A = arith.constant 0 : i32
      %dma_start3A_32 = arith.constant 0 : i32
      %dma_start3A_33 = tpu.memref_slice %arg6[%dma_start3A, %dma_start3A_32] : memref<40x128xi32, #tpu.memory_space<vmem>> -> memref<1x128xi32, #tpu.memory_space<vmem>>
      %dma_start3A_34 = tpu.memref_squeeze %dma_start3A_33 : memref<1x128xi32, #tpu.memory_space<vmem>> -> memref<128xi32, #tpu.memory_space<vmem>>
      %dma_start3A_35 = arith.constant 0 : i32
      %dma_start3A_36 = arith.constant 0 : i32
      %dma_start3A_37 = tpu.memref_slice %arg2[%dma_start3A_35, %dma_start3A_36] : memref<10240x128xf32, #tpu.memory_space<hbm>> -> memref<10240x128xf32, #tpu.memory_space<hbm>>
      tpu.enqueue_indirect_dma source(%dma_start3A_37 : memref<10240x128xf32, #tpu.memory_space<hbm>>) target(%arg8 : memref<128x128xf32, #tpu.memory_space<vmem>>) offsets(%dma_start3A_34 : memref<128xi32, #tpu.memory_space<vmem>>) semaphore(%arg11 : memref<!tpu.dma_semaphore, #tpu.memory_space<semaphore_mem>>)
      %scan3A_38 = arith.constant 0 : i32
      %scan3A_39 = arith.constant 0 : i32
      %scan3A_40 = arith.constant 20 : i32
      %scan3A_41 = arith.addi %scan3A_39, %scan3A_40 : i32
      %scan3A_42 = arith.constant 1 : i32
      %scan3A_43 = scf.for %scan3A_52 = %scan3A_39 to %scan3A_41 step %scan3A_42 iter_args(%scan3A_53 = %scan3A_38) -> (i32)  : i32 {
        %mul3A_54 = arith.constant 2 : i32
        %mul3A_55 = arith.muli %scan3A_52, %mul3A_54 : i32
        %add3A_56 = arith.constant 1 : i32
        %add3A_57 = arith.addi %mul3A_55, %add3A_56 : i32
        %dma_start3A_58 = arith.constant 0 : i32
        %dma_start3A_59 = tpu.memref_slice %arg6[%add3A_57, %dma_start3A_58] : memref<40x128xi32, #tpu.memory_space<vmem>> -> memref<1x128xi32, #tpu.memory_space<vmem>>
        %dma_start3A_60 = tpu.memref_squeeze %dma_start3A_59 : memref<1x128xi32, #tpu.memory_space<vmem>> -> memref<128xi32, #tpu.memory_space<vmem>>
        %dma_start3A_61 = arith.constant 0 : i32
        %dma_start3A_62 = arith.constant 0 : i32
        %dma_start3A_63 = tpu.memref_slice %arg2[%dma_start3A_61, %dma_start3A_62] : memref<10240x128xf32, #tpu.memory_space<hbm>> -> memref<10240x128xf32, #tpu.memory_space<hbm>>
        tpu.enqueue_indirect_dma source(%dma_start3A_63 : memref<10240x128xf32, #tpu.memory_space<hbm>>) target(%arg9 : memref<128x128xf32, #tpu.memory_space<vmem>>) offsets(%dma_start3A_60 : memref<128xi32, #tpu.memory_space<vmem>>) semaphore(%arg12 : memref<!tpu.dma_semaphore, #tpu.memory_space<semaphore_mem>>)
        %dma_wait3A_64 = arith.constant 0 : i32
        %dma_wait3A_65 = arith.constant 0 : i32
        %dma_wait3A_66 = tpu.memref_slice %arg6[%dma_wait3A_64, %dma_wait3A_65] : memref<40x128xi32, #tpu.memory_space<vmem>> -> memref<1x128xi32, #tpu.memory_space<vmem>>
        %dma_wait3A_67 = tpu.memref_squeeze %dma_wait3A_66 : memref<1x128xi32, #tpu.memory_space<vmem>> -> memref<128xi32, #tpu.memory_space<vmem>>
        %dma_wait3A_68 = arith.constant 0 : i32
        %dma_wait3A_69 = arith.constant 0 : i32
        %dma_wait3A_70 = tpu.memref_slice %arg2[%dma_wait3A_68, %dma_wait3A_69] : memref<10240x128xf32, #tpu.memory_space<hbm>> -> memref<10240x128xf32, #tpu.memory_space<hbm>>
        tpu.wait_indirect_dma semaphore(%arg11 : memref<!tpu.dma_semaphore, #tpu.memory_space<semaphore_mem>>) src(%dma_wait3A_70 : memref<10240x128xf32, #tpu.memory_space<hbm>>) dst(%arg8 : memref<128x128xf32, #tpu.memory_space<vmem>>)
        "tpu.region"() ({
          %run_scoped3A = tpu.sem_alloc : memref<!tpu.dma_semaphore, #tpu.memory_space<semaphore_mem>>
          %dma_start3A_88 = arith.constant 0 : i32
          %dma_start3A_89 = tpu.memref_slice %arg7[%mul3A_55, %dma_start3A_88] : memref<40x128xi32, #tpu.memory_space<vmem>> -> memref<1x128xi32, #tpu.memory_space<vmem>>
          %dma_start3A_90 = tpu.memref_squeeze %dma_start3A_89 : memref<1x128xi32, #tpu.memory_space<vmem>> -> memref<128xi32, #tpu.memory_space<vmem>>
          %dma_start3A_91 = arith.constant 0 : i32
          %dma_start3A_92 = arith.constant 0 : i32
          %dma_start3A_93 = tpu.memref_slice %arg10[%dma_start3A_91, %dma_start3A_92] : memref<10240x128xf32, #tpu.memory_space<vmem_shared>> -> memref<10240x128xf32, #tpu.memory_space<vmem_shared>>
          tpu.enqueue_indirect_dma source(%arg8 : memref<128x128xf32, #tpu.memory_space<vmem>>) target(%dma_start3A_93 : memref<10240x128xf32, #tpu.memory_space<vmem_shared>>) offsets(%dma_start3A_90 : memref<128xi32, #tpu.memory_space<vmem>>) semaphore(%run_scoped3A : memref<!tpu.dma_semaphore, #tpu.memory_space<semaphore_mem>>) {add = true}
          %dma_wait3A_94 = arith.constant 0 : i32
          %dma_wait3A_95 = tpu.memref_slice %arg7[%mul3A_55, %dma_wait3A_94] : memref<40x128xi32, #tpu.memory_space<vmem>> -> memref<1x128xi32, #tpu.memory_space<vmem>>
          %dma_wait3A_96 = tpu.memref_squeeze %dma_wait3A_95 : memref<1x128xi32, #tpu.memory_space<vmem>> -> memref<128xi32, #tpu.memory_space<vmem>>
          %dma_wait3A_97 = arith.constant 0 : i32
          %dma_wait3A_98 = arith.constant 0 : i32
          %dma_wait3A_99 = tpu.memref_slice %arg10[%dma_wait3A_97, %dma_wait3A_98] : memref<10240x128xf32, #tpu.memory_space<vmem_shared>> -> memref<10240x128xf32, #tpu.memory_space<vmem_shared>>
          tpu.wait_indirect_dma semaphore(%run_scoped3A : memref<!tpu.dma_semaphore, #tpu.memory_space<semaphore_mem>>) src(%arg8 : memref<128x128xf32, #tpu.memory_space<vmem>>) dst(%dma_wait3A_99 : memref<10240x128xf32, #tpu.memory_space<vmem_shared>>)
          tpu.yield
        }) : () -> ()
        %add3A_71 = arith.constant 2 : i32
        %add3A_72 = arith.addi %mul3A_55, %add3A_71 : i32
        %rem3A = arith.constant 40 : i32
        %rem3A_73 = arith.remsi %add3A_72, %rem3A : i32
        %dma_start3A_74 = arith.constant 0 : i32
        %dma_start3A_75 = tpu.memref_slice %arg6[%rem3A_73, %dma_start3A_74] : memref<40x128xi32, #tpu.memory_space<vmem>> -> memref<1x128xi32, #tpu.memory_space<vmem>>
        %dma_start3A_76 = tpu.memref_squeeze %dma_start3A_75 : memref<1x128xi32, #tpu.memory_space<vmem>> -> memref<128xi32, #tpu.memory_space<vmem>>
        %dma_start3A_77 = arith.constant 0 : i32
        %dma_start3A_78 = arith.constant 0 : i32
        %dma_start3A_79 = tpu.memref_slice %arg2[%dma_start3A_77, %dma_start3A_78] : memref<10240x128xf32, #tpu.memory_space<hbm>> -> memref<10240x128xf32, #tpu.memory_space<hbm>>
        tpu.enqueue_indirect_dma source(%dma_start3A_79 : memref<10240x128xf32, #tpu.memory_space<hbm>>) target(%arg8 : memref<128x128xf32, #tpu.memory_space<vmem>>) offsets(%dma_start3A_76 : memref<128xi32, #tpu.memory_space<vmem>>) semaphore(%arg11 : memref<!tpu.dma_semaphore, #tpu.memory_space<semaphore_mem>>)
        %dma_wait3A_80 = arith.constant 0 : i32
        %dma_wait3A_81 = arith.constant 0 : i32
        %dma_wait3A_82 = tpu.memref_slice %arg6[%dma_wait3A_80, %dma_wait3A_81] : memref<40x128xi32, #tpu.memory_space<vmem>> -> memref<1x128xi32, #tpu.memory_space<vmem>>
        %dma_wait3A_83 = tpu.memref_squeeze %dma_wait3A_82 : memref<1x128xi32, #tpu.memory_space<vmem>> -> memref<128xi32, #tpu.memory_space<vmem>>
        %dma_wait3A_84 = arith.constant 0 : i32
        %dma_wait3A_85 = arith.constant 0 : i32
        %dma_wait3A_86 = tpu.memref_slice %arg2[%dma_wait3A_84, %dma_wait3A_85] : memref<10240x128xf32, #tpu.memory_space<hbm>> -> memref<10240x128xf32, #tpu.memory_space<hbm>>
        tpu.wait_indirect_dma semaphore(%arg12 : memref<!tpu.dma_semaphore, #tpu.memory_space<semaphore_mem>>) src(%dma_wait3A_86 : memref<10240x128xf32, #tpu.memory_space<hbm>>) dst(%arg9 : memref<128x128xf32, #tpu.memory_space<vmem>>)
        "tpu.region"() ({
          %run_scoped3A = tpu.sem_alloc : memref<!tpu.dma_semaphore, #tpu.memory_space<semaphore_mem>>
          %dma_start3A_88 = arith.constant 0 : i32
          %dma_start3A_89 = tpu.memref_slice %arg7[%add3A_57, %dma_start3A_88] : memref<40x128xi32, #tpu.memory_space<vmem>> -> memref<1x128xi32, #tpu.memory_space<vmem>>
          %dma_start3A_90 = tpu.memref_squeeze %dma_start3A_89 : memref<1x128xi32, #tpu.memory_space<vmem>> -> memref<128xi32, #tpu.memory_space<vmem>>
          %dma_start3A_91 = arith.constant 0 : i32
          %dma_start3A_92 = arith.constant 0 : i32
          %dma_start3A_93 = tpu.memref_slice %arg10[%dma_start3A_91, %dma_start3A_92] : memref<10240x128xf32, #tpu.memory_space<vmem_shared>> -> memref<10240x128xf32, #tpu.memory_space<vmem_shared>>
          tpu.enqueue_indirect_dma source(%arg9 : memref<128x128xf32, #tpu.memory_space<vmem>>) target(%dma_start3A_93 : memref<10240x128xf32, #tpu.memory_space<vmem_shared>>) offsets(%dma_start3A_90 : memref<128xi32, #tpu.memory_space<vmem>>) semaphore(%run_scoped3A : memref<!tpu.dma_semaphore, #tpu.memory_space<semaphore_mem>>) {add = true}
          %dma_wait3A_94 = arith.constant 0 : i32
          %dma_wait3A_95 = tpu.memref_slice %arg7[%add3A_57, %dma_wait3A_94] : memref<40x128xi32, #tpu.memory_space<vmem>> -> memref<1x128xi32, #tpu.memory_space<vmem>>
          %dma_wait3A_96 = tpu.memref_squeeze %dma_wait3A_95 : memref<1x128xi32, #tpu.memory_space<vmem>> -> memref<128xi32, #tpu.memory_space<vmem>>
          %dma_wait3A_97 = arith.constant 0 : i32
          %dma_wait3A_98 = arith.constant 0 : i32
          %dma_wait3A_99 = tpu.memref_slice %arg10[%dma_wait3A_97, %dma_wait3A_98] : memref<10240x128xf32, #tpu.memory_space<vmem_shared>> -> memref<10240x128xf32, #tpu.memory_space<vmem_shared>>
          tpu.wait_indirect_dma semaphore(%run_scoped3A : memref<!tpu.dma_semaphore, #tpu.memory_space<semaphore_mem>>) src(%arg9 : memref<128x128xf32, #tpu.memory_space<vmem>>) dst(%dma_wait3A_99 : memref<10240x128xf32, #tpu.memory_space<vmem_shared>>)
          tpu.yield
        }) : () -> ()
        %scan3A_87 = arith.constant 0 : i32
        scf.yield %scan3A_87 : i32
      }
      %scan3A_44 = arith.constant 20 : i32
      %dma_wait3A = arith.constant 0 : i32
      %dma_wait3A_45 = arith.constant 0 : i32
      %dma_wait3A_46 = tpu.memref_slice %arg6[%dma_wait3A, %dma_wait3A_45] : memref<40x128xi32, #tpu.memory_space<vmem>> -> memref<1x128xi32, #tpu.memory_space<vmem>>
      %dma_wait3A_47 = tpu.memref_squeeze %dma_wait3A_46 : memref<1x128xi32, #tpu.memory_space<vmem>> -> memref<128xi32, #tpu.memory_space<vmem>>
      %dma_wait3A_48 = arith.constant 0 : i32
      %dma_wait3A_49 = arith.constant 0 : i32
      %dma_wait3A_50 = tpu.memref_slice %arg2[%dma_wait3A_48, %dma_wait3A_49] : memref<10240x128xf32, #tpu.memory_space<hbm>> -> memref<10240x128xf32, #tpu.memory_space<hbm>>
      tpu.wait_indirect_dma semaphore(%arg11 : memref<!tpu.dma_semaphore, #tpu.memory_space<semaphore_mem>>) src(%dma_wait3A_50 : memref<10240x128xf32, #tpu.memory_space<hbm>>) dst(%arg8 : memref<128x128xf32, #tpu.memory_space<vmem>>)
      %scan3A_51 = arith.constant 0 : i32
      scf.yield %scan3A_51 : i32
    }
    %scan3A_26 = arith.constant 2 : i32
    %barrier3A_27 = arith.constant 0 : index
    tpu.barrier barrier_id(%barrier3A_27)
    "tpu.region"() ({
      %run_scoped3A = tpu.sem_alloc : memref<!tpu.dma_semaphore, #tpu.memory_space<semaphore_mem>>
      %dma_start3A = arith.constant 0 : i32
      %dma_start3A_28 = tpu.memref_slice %arg5[%arg0, %mul3A_9, %dma_start3A] : memref<2x10240x128xf32, #tpu.memory_space<hbm>> -> memref<1x640x128xf32, #tpu.memory_space<hbm>>
      %dma_start3A_29 = tpu.memref_squeeze %dma_start3A_28 : memref<1x640x128xf32, #tpu.memory_space<hbm>> -> memref<640x128xf32, #tpu.memory_space<hbm>>
      %dma_start3A_30 = arith.constant 0 : i32
      %dma_start3A_31 = tpu.memref_slice %arg10[%mul3A_9, %dma_start3A_30] : memref<10240x128xf32, #tpu.memory_space<vmem_shared>> -> memref<640x128xf32, #tpu.memory_space<vmem_shared>>
      tpu.enqueue_dma source(%dma_start3A_31 : memref<640x128xf32, #tpu.memory_space<vmem_shared>>) target(%dma_start3A_29 : memref<640x128xf32, #tpu.memory_space<hbm>>) target_semaphore(%run_scoped3A : memref<!tpu.dma_semaphore, #tpu.memory_space<semaphore_mem>>)
      %dma_wait3A = arith.constant 0 : i32
      %dma_wait3A_32 = tpu.memref_slice %arg5[%arg0, %mul3A_9, %dma_wait3A] : memref<2x10240x128xf32, #tpu.memory_space<hbm>> -> memref<1x640x128xf32, #tpu.memory_space<hbm>>
      %dma_wait3A_33 = tpu.memref_squeeze %dma_wait3A_32 : memref<1x640x128xf32, #tpu.memory_space<hbm>> -> memref<640x128xf32, #tpu.memory_space<hbm>>
      %dma_wait3A_34 = arith.constant 0 : i32
      %dma_wait3A_35 = tpu.memref_slice %arg10[%mul3A_9, %dma_wait3A_34] : memref<10240x128xf32, #tpu.memory_space<vmem_shared>> -> memref<640x128xf32, #tpu.memory_space<vmem_shared>>
      tpu.wait_dma2 semaphore(%run_scoped3A : memref<!tpu.dma_semaphore, #tpu.memory_space<semaphore_mem>>) src(%dma_wait3A_35 : memref<640x128xf32, #tpu.memory_space<vmem_shared>>) dst(%dma_wait3A_33 : memref<640x128xf32, #tpu.memory_space<hbm>>)
      tpu.yield
    }) : () -> ()
    return
  }
}

module attributes {stable_mosaic.version = 14 : i64} {
  func.func @body(%arg0: i32, %arg1: memref<512x128xf32, #tpu.memory_space<vmem>>, %arg2: memref<2x512x128xf32, #tpu.memory_space<vmem>>, %arg3: memref<128x128xf32, #tpu.memory_space<vmem>>, %arg4: memref<512x128xf32, #tpu.memory_space<vmem>>, %arg5: memref<512x8xf32, #tpu.memory_space<vmem>>) attributes {dimension_semantics = [#tpu.dimension_semantics<arbitrary>], iteration_bounds = array<i64: 20>, scalar_prefetch = 0 : i64, scratch_operands = 0 : i64, tpu.core_type = #tpu.core_type<tc>, window_params = [{transform_indices = @transform_0, window_bounds = array<i64: 512, 128>}, {transform_indices = @transform_1, window_bounds = array<i64: 2, 512, 128>}, {pipeline_mode = #tpu.pipeline_mode<synchronous>, transform_indices = @transform_2, window_bounds = array<i64: 128, 128>}, {transform_indices = @transform_3, window_bounds = array<i64: 512, 128>}, {transform_indices = @transform_4, window_bounds = array<i64: 512, 8>}]} {
    %get3A = arith.constant 0 : index
    %get3A_0 = arith.constant 0 : index
    %get3A_1 = arith.constant 0 : index
    %get3A_2 = vector.load %arg2[%get3A, %get3A_0, %get3A_1] : memref<2x512x128xf32, #tpu.memory_space<vmem>>, vector<2x512x128xf32>
    %slice3A = vector.extract_strided_slice %get3A_2 {offsets = [0, 0, 0], sizes = [1, 512, 1], strides = [1, 1, 1]} : vector<2x512x128xf32> to vector<1x512x1xf32>
    %squeeze3A = vector.shape_cast %slice3A : vector<1x512x1xf32> to vector<512x1xf32>
    %slice3A_3 = vector.extract_strided_slice %get3A_2 {offsets = [1, 0, 0], sizes = [1, 512, 1], strides = [1, 1, 1]} : vector<2x512x128xf32> to vector<1x512x1xf32>
    %squeeze3A_4 = vector.shape_cast %slice3A_3 : vector<1x512x1xf32> to vector<512x1xf32>
    %add3A = arith.addf %squeeze3A, %squeeze3A_4 : vector<512x1xf32>
    %slice3A_5 = vector.extract_strided_slice %get3A_2 {offsets = [0, 0, 1], sizes = [1, 512, 1], strides = [1, 1, 1]} : vector<2x512x128xf32> to vector<1x512x1xf32>
    %squeeze3A_6 = vector.shape_cast %slice3A_5 : vector<1x512x1xf32> to vector<512x1xf32>
    %slice3A_7 = vector.extract_strided_slice %get3A_2 {offsets = [1, 0, 1], sizes = [1, 512, 1], strides = [1, 1, 1]} : vector<2x512x128xf32> to vector<1x512x1xf32>
    %squeeze3A_8 = vector.shape_cast %slice3A_7 : vector<1x512x1xf32> to vector<512x1xf32>
    %add3A_9 = arith.addf %squeeze3A_6, %squeeze3A_8 : vector<512x1xf32>
    %max3A = arith.constant 1.000000e+00 : f32
    %max3A_10 = vector.broadcast %max3A : f32 to vector<512x1xf32>
    %max3A_11 = arith.maximumf %add3A, %max3A_10 : vector<512x1xf32>
    %rsqrt3A = math.rsqrt %max3A_11 : vector<512x1xf32>
    %max3A_12 = arith.constant 1.000000e+00 : f32
    %max3A_13 = vector.broadcast %max3A_12 : f32 to vector<512x1xf32>
    %max3A_14 = arith.maximumf %add3A_9, %max3A_13 : vector<512x1xf32>
    %rsqrt3A_15 = math.rsqrt %max3A_14 : vector<512x1xf32>
    %get3A_16 = arith.constant 0 : index
    %get3A_17 = arith.constant 0 : index
    %get3A_18 = vector.load %arg1[%get3A_16, %get3A_17] : memref<512x128xf32, #tpu.memory_space<vmem>>, vector<512x128xf32>
    %mul3A = vector.broadcast %rsqrt3A : vector<512x1xf32> to vector<512x128xf32>
    %mul3A_19 = arith.mulf %get3A_18, %mul3A : vector<512x128xf32>
    %get3A_20 = arith.constant 0 : index
    %get3A_21 = arith.constant 0 : index
    %get3A_22 = vector.load %arg3[%get3A_20, %get3A_21] : memref<128x128xf32, #tpu.memory_space<vmem>>, vector<128x128xf32>
    %dot_general3A = arith.constant dense<0.000000e+00> : vector<512x128xf32>
    %dot_general3A_23 = tpu.matmul %mul3A_19, %get3A_22, %dot_general3A {dimension_numbers = #tpu.dot_dimension_numbers<[1], [0], [0], [1], [0, 0, 1, 1], [], []>, transpose_lhs_hint = false} : vector<512x128xf32>, vector<128x128xf32>, vector<512x128xf32> -> vector<512x128xf32>
    %swap3A = arith.constant 0 : index
    %swap3A_24 = arith.constant 0 : index
    %swap3A_25 = vector.load %arg4[%swap3A, %swap3A_24] : memref<512x128xf32, #tpu.memory_space<vmem>>, vector<512x128xf32>
    tpu.vector_store %arg4[%swap3A, %swap3A_24], %dot_general3A_23 {strides = array<i32>} : memref<512x128xf32, #tpu.memory_space<vmem>>, vector<512x128xf32>,
    %broadcast_in_dim3A = arith.constant 0.000000e+00 : f32
    %broadcast_in_dim3A_26 = vector.broadcast %broadcast_in_dim3A : f32 to vector<512x6xf32>
    %concatenate3A = tpu.concatenate %rsqrt3A, %rsqrt3A_15, %broadcast_in_dim3A_26 in 1 : vector<512x1xf32>, vector<512x1xf32>, vector<512x6xf32> -> vector<512x8xf32>
    %swap3A_27 = arith.constant 0 : index
    %swap3A_28 = arith.constant 0 : index
    %swap3A_29 = vector.load %arg5[%swap3A_27, %swap3A_28] : memref<512x8xf32, #tpu.memory_space<vmem>>, vector<512x8xf32>
    tpu.vector_store %arg5[%swap3A_27, %swap3A_28], %concatenate3A {strides = array<i32>} : memref<512x8xf32, #tpu.memory_space<vmem>>, vector<512x8xf32>,
    return
  }
  func.func @transform_0(%arg0: i32) -> (i32, i32) {
    %c0_i32 = arith.constant 0 : i32
    %c0_i32_0 = arith.constant 0 : i32
    return %arg0, %c0_i32 : i32, i32
  }
  func.func @transform_1(%arg0: i32) -> (i32, i32, i32) {
    %c0_i32 = arith.constant 0 : i32
    %c0_i32_0 = arith.constant 0 : i32
    %c0_i32_1 = arith.constant 0 : i32
    return %c0_i32, %arg0, %c0_i32_0 : i32, i32, i32
  }
  func.func @transform_2(%arg0: i32) -> (i32, i32) {
    %c0_i32 = arith.constant 0 : i32
    %c0_i32_0 = arith.constant 0 : i32
    %c0_i32_1 = arith.constant 0 : i32
    return %c0_i32, %c0_i32_0 : i32, i32
  }
  func.func @transform_3(%arg0: i32) -> (i32, i32) {
    %c0_i32 = arith.constant 0 : i32
    %c0_i32_0 = arith.constant 0 : i32
    return %arg0, %c0_i32 : i32, i32
  }
  func.func @transform_4(%arg0: i32) -> (i32, i32) {
    %c0_i32 = arith.constant 0 : i32
    %c0_i32_0 = arith.constant 0 : i32
    return %arg0, %c0_i32 : i32, i32
  }
}

module attributes {stable_mosaic.version = 14 : i64} {
  func.func @body(%arg0: i32, %arg1: memref<2x512x128xf32, #tpu.memory_space<vmem>>, %arg2: memref<512x8xf32, #tpu.memory_space<vmem>>, %arg3: memref<1x64xf32, #tpu.memory_space<vmem>>, %arg4: memref<512x64xf32, #tpu.memory_space<vmem>>) attributes {dimension_semantics = [#tpu.dimension_semantics<arbitrary>], iteration_bounds = array<i64: 20>, scalar_prefetch = 0 : i64, scratch_operands = 0 : i64, tpu.core_type = #tpu.core_type<tc>, window_params = [{transform_indices = @transform_0, window_bounds = array<i64: 2, 512, 128>}, {transform_indices = @transform_1, window_bounds = array<i64: 512, 8>}, {pipeline_mode = #tpu.pipeline_mode<synchronous>, transform_indices = @transform_2, window_bounds = array<i64: 1, 64>}, {transform_indices = @transform_3, window_bounds = array<i64: 512, 64>}]} {
    %get3A = arith.constant 0 : index
    %get3A_0 = arith.constant 1 : index
    %get3A_1 = vector.load %arg2[%get3A, %get3A_0] : memref<512x8xf32, #tpu.memory_space<vmem>>, vector<512x1xf32>
    %get3A_2 = arith.constant 0 : index
    %get3A_3 = arith.constant 0 : index
    %get3A_4 = arith.constant 0 : index
    %get3A_5 = vector.load %arg1[%get3A_2, %get3A_3, %get3A_4] : memref<2x512x128xf32, #tpu.memory_space<vmem>>, vector<1x512x64xf32>
    %get3A_6 = vector.shape_cast %get3A_5 : vector<1x512x64xf32> to vector<512x64xf32>
    %get3A_7 = arith.constant 1 : index
    %get3A_8 = arith.constant 0 : index
    %get3A_9 = arith.constant 0 : index
    %get3A_10 = vector.load %arg1[%get3A_7, %get3A_8, %get3A_9] : memref<2x512x128xf32, #tpu.memory_space<vmem>>, vector<1x512x64xf32>
    %get3A_11 = vector.shape_cast %get3A_10 : vector<1x512x64xf32> to vector<512x64xf32>
    %add3A = arith.addf %get3A_6, %get3A_11 : vector<512x64xf32>
    %mul3A = vector.broadcast %get3A_1 : vector<512x1xf32> to vector<512x64xf32>
    %mul3A_12 = arith.mulf %add3A, %mul3A : vector<512x64xf32>
    %get3A_13 = arith.constant 0 : index
    %get3A_14 = arith.constant 0 : index
    %get3A_15 = vector.load %arg3[%get3A_13, %get3A_14] : memref<1x64xf32, #tpu.memory_space<vmem>>, vector<1x64xf32>
    %add3A_16 = vector.broadcast %get3A_15 : vector<1x64xf32> to vector<512x64xf32>
    %add3A_17 = arith.addf %mul3A_12, %add3A_16 : vector<512x64xf32>
    %swap3A = arith.constant 0 : index
    %swap3A_18 = arith.constant 0 : index
    %swap3A_19 = vector.load %arg4[%swap3A, %swap3A_18] : memref<512x64xf32, #tpu.memory_space<vmem>>, vector<512x64xf32>
    tpu.vector_store %arg4[%swap3A, %swap3A_18], %add3A_17 {strides = array<i32>} : memref<512x64xf32, #tpu.memory_space<vmem>>, vector<512x64xf32>,
    return
  }
  func.func @transform_0(%arg0: i32) -> (i32, i32, i32) {
    %c0_i32 = arith.constant 0 : i32
    %c0_i32_0 = arith.constant 0 : i32
    %c0_i32_1 = arith.constant 0 : i32
    return %c0_i32, %arg0, %c0_i32_0 : i32, i32, i32
  }
  func.func @transform_1(%arg0: i32) -> (i32, i32) {
    %c0_i32 = arith.constant 0 : i32
    %c0_i32_0 = arith.constant 0 : i32
    return %arg0, %c0_i32 : i32, i32
  }
  func.func @transform_2(%arg0: i32) -> (i32, i32) {
    %c0_i32 = arith.constant 0 : i32
    %c0_i32_0 = arith.constant 0 : i32
    %c0_i32_1 = arith.constant 0 : i32
    return %c0_i32, %c0_i32_0 : i32, i32
  }
  func.func @transform_3(%arg0: i32) -> (i32, i32) {
    %c0_i32 = arith.constant 0 : i32
    %c0_i32_0 = arith.constant 0 : i32
    return %arg0, %c0_i32 : i32, i32
  }
}

module attributes {stable_mosaic.version = 14 : i64} {
  func.func @body(%arg0: i32, %arg1: memref<2x512x128xf32, #tpu.memory_space<vmem>>, %arg2: memref<512x8xf32, #tpu.memory_space<vmem>>, %arg3: memref<1x128xf32, #tpu.memory_space<vmem>>, %arg4: memref<512x128xf32, #tpu.memory_space<vmem>>, %arg5: memref<128x128xf32, #tpu.memory_space<vmem>>, %arg6: memref<512x128xf32, #tpu.memory_space<vmem>>) attributes {dimension_semantics = [#tpu.dimension_semantics<arbitrary>], iteration_bounds = array<i64: 20>, scalar_prefetch = 0 : i64, scratch_operands = 0 : i64, tpu.core_type = #tpu.core_type<tc>, window_params = [{transform_indices = @transform_0, window_bounds = array<i64: 2, 512, 128>}, {transform_indices = @transform_1, window_bounds = array<i64: 512, 8>}, {pipeline_mode = #tpu.pipeline_mode<synchronous>, transform_indices = @transform_2, window_bounds = array<i64: 1, 128>}, {transform_indices = @transform_3, window_bounds = array<i64: 512, 128>}, {pipeline_mode = #tpu.pipeline_mode<synchronous>, transform_indices = @transform_4, window_bounds = array<i64: 128, 128>}, {transform_indices = @transform_5, window_bounds = array<i64: 512, 128>}]} {
    %get3A = arith.constant 0 : index
    %get3A_0 = arith.constant 0 : index
    %get3A_1 = vector.load %arg2[%get3A, %get3A_0] : memref<512x8xf32, #tpu.memory_space<vmem>>, vector<512x1xf32>
    %get3A_2 = arith.constant 0 : index
    %get3A_3 = arith.constant 1 : index
    %get3A_4 = vector.load %arg2[%get3A_2, %get3A_3] : memref<512x8xf32, #tpu.memory_space<vmem>>, vector<512x1xf32>
    %get3A_5 = arith.constant 0 : index
    %get3A_6 = arith.constant 0 : index
    %get3A_7 = arith.constant 0 : index
    %get3A_8 = vector.load %arg1[%get3A_5, %get3A_6, %get3A_7] : memref<2x512x128xf32, #tpu.memory_space<vmem>>, vector<1x512x128xf32>
    %get3A_9 = vector.shape_cast %get3A_8 : vector<1x512x128xf32> to vector<512x128xf32>
    %get3A_10 = arith.constant 1 : index
    %get3A_11 = arith.constant 0 : index
    %get3A_12 = arith.constant 0 : index
    %get3A_13 = vector.load %arg1[%get3A_10, %get3A_11, %get3A_12] : memref<2x512x128xf32, #tpu.memory_space<vmem>>, vector<1x512x128xf32>
    %get3A_14 = vector.shape_cast %get3A_13 : vector<1x512x128xf32> to vector<512x128xf32>
    %add3A = arith.addf %get3A_9, %get3A_14 : vector<512x128xf32>
    %mul3A = vector.broadcast %get3A_4 : vector<512x1xf32> to vector<512x128xf32>
    %mul3A_15 = arith.mulf %add3A, %mul3A : vector<512x128xf32>
    %get3A_16 = arith.constant 0 : index
    %get3A_17 = arith.constant 0 : index
    %get3A_18 = vector.load %arg3[%get3A_16, %get3A_17] : memref<1x128xf32, #tpu.memory_space<vmem>>, vector<1x128xf32>
    %add3A_19 = vector.broadcast %get3A_18 : vector<1x128xf32> to vector<512x128xf32>
    %add3A_20 = arith.addf %mul3A_15, %add3A_19 : vector<512x128xf32>
    %max3A = arith.constant 0.000000e+00 : f32
    %max3A_21 = vector.broadcast %max3A : f32 to vector<512x128xf32>
    %max3A_22 = arith.maximumf %add3A_20, %max3A_21 : vector<512x128xf32>
    %get3A_23 = arith.constant 0 : index
    %get3A_24 = arith.constant 0 : index
    %get3A_25 = vector.load %arg4[%get3A_23, %get3A_24] : memref<512x128xf32, #tpu.memory_space<vmem>>, vector<512x128xf32>
    %add3A_26 = arith.addf %max3A_22, %get3A_25 : vector<512x128xf32>
    %mul3A_27 = vector.broadcast %get3A_1 : vector<512x1xf32> to vector<512x128xf32>
    %mul3A_28 = arith.mulf %add3A_26, %mul3A_27 : vector<512x128xf32>
    %get3A_29 = arith.constant 0 : index
    %get3A_30 = arith.constant 0 : index
    %get3A_31 = vector.load %arg5[%get3A_29, %get3A_30] : memref<128x128xf32, #tpu.memory_space<vmem>>, vector<128x128xf32>
    %dot_general3A = arith.constant dense<0.000000e+00> : vector<512x128xf32>
    %dot_general3A_32 = tpu.matmul %mul3A_28, %get3A_31, %dot_general3A {dimension_numbers = #tpu.dot_dimension_numbers<[1], [0], [0], [1], [0, 0, 1, 1], [], []>, transpose_lhs_hint = false} : vector<512x128xf32>, vector<128x128xf32>, vector<512x128xf32> -> vector<512x128xf32>
    %swap3A = arith.constant 0 : index
    %swap3A_33 = arith.constant 0 : index
    %swap3A_34 = vector.load %arg6[%swap3A, %swap3A_33] : memref<512x128xf32, #tpu.memory_space<vmem>>, vector<512x128xf32>
    tpu.vector_store %arg6[%swap3A, %swap3A_33], %dot_general3A_32 {strides = array<i32>} : memref<512x128xf32, #tpu.memory_space<vmem>>, vector<512x128xf32>,
    return
  }
  func.func @transform_0(%arg0: i32) -> (i32, i32, i32) {
    %c0_i32 = arith.constant 0 : i32
    %c0_i32_0 = arith.constant 0 : i32
    %c0_i32_1 = arith.constant 0 : i32
    return %c0_i32, %arg0, %c0_i32_0 : i32, i32, i32
  }
  func.func @transform_1(%arg0: i32) -> (i32, i32) {
    %c0_i32 = arith.constant 0 : i32
    %c0_i32_0 = arith.constant 0 : i32
    return %arg0, %c0_i32 : i32, i32
  }
  func.func @transform_2(%arg0: i32) -> (i32, i32) {
    %c0_i32 = arith.constant 0 : i32
    %c0_i32_0 = arith.constant 0 : i32
    %c0_i32_1 = arith.constant 0 : i32
    return %c0_i32, %c0_i32_0 : i32, i32
  }
  func.func @transform_3(%arg0: i32) -> (i32, i32) {
    %c0_i32 = arith.constant 0 : i32
    %c0_i32_0 = arith.constant 0 : i32
    return %arg0, %c0_i32 : i32, i32
  }
  func.func @transform_4(%arg0: i32) -> (i32, i32) {
    %c0_i32 = arith.constant 0 : i32
    %c0_i32_0 = arith.constant 0 : i32
    %c0_i32_1 = arith.constant 0 : i32
    return %c0_i32, %c0_i32_0 : i32, i32
  }
  func.func @transform_5(%arg0: i32) -> (i32, i32) {
    %c0_i32 = arith.constant 0 : i32
    %c0_i32_0 = arith.constant 0 : i32
    return %arg0, %c0_i32 : i32, i32
  }
}

</mosaic_0001>

<sc_bundles>
// kernel: kernel.11.cloned.1.call-start
scs
__scs_entry_jumppad:
0x0: {  	(pc) =	sbr.rel $0x88, $3  }
0x1: {  	(tag) =	ssettag $0x0;
	lr =	simm.s32 $0x1  }
0x2: {  	[smem:$0x3F9B] =	sst lr;
	_ =	strace $0xD0000000  }
0x3: {  	_ = 	snop  }
0x4: {  	_ = 	snop  }
0x5: {  	_ = 	snop  }
0x6: {  	_ = 	snop  }
0x7: {  	_ = 	snop  }
__scs_overlays_trampoline_lowered:
0x8: {  	[smem:$0x3FAA] =	sst s0  }
0x9: {  	[smem:$0x3FAB] =	sst s1  }
0xa: {  	[smem:$0x3FAC] =	sst s2  }
0xb: {  	[smem:$0x3FAD] =	sst s3  }
0xc: {  	[smem:$0x3FAE] =	sst s4  }
0xd: {  	[smem:$0x3FAF] =	sst s5  }
0xe: {  	[smem:$0x3FB0] =	sst s6  }
0xf: {  	[smem:$0x3FB1] =	sst s7  }
0x10: {  	[smem:$0x3FB2] =	sst s8  }
0x11: {  	[smem:$0x3FB3] =	sst s9;
	s0 =	simm.s32 @!p0 $0x0  }
0x12: {  	s1 =	sld [smem:$0x3F99];
	s0 =	simm.s32 @p0 $0x1  }
0x13: {  	[smem:$0x3FB4] =	sst s0;
	s0 =	simm.s32 @!p1 $0x0  }
0x14: {  	s2 =	sld [smem:$0x3F98];
	s0 =	simm.s32 @p1 $0x1  }
0x15: {  	[smem:$0x3FB5] =	sst s0;
	s0 =	simm.s32 @!p2 $0x0  }
0x16: {  	s3 =	sld [smem:$0x3FDB];
	s0 =	simm.s32 @p2 $0x1  }
0x17: {  	s4 =	simm.s32 $0x1BF5;
	[smem:$0x3FB7] =	sst s0  }
0x18: {  	s0 =	sld [smem:$0x3F9A];
	_ =	swait.ge [sflag:s4], $0x0  }
0x19: {  	s7 =	sld [smem:$0x3F9B]  }
0x1a: {  	s8 =	sadd.s32 $0xFFFFE003, lr  }
0x1b: {  	s9 =	sadd.s32 $0xFFFFFEF7, lr;
	s5 =	simm.s32 $0xFFFFFFFF;
	p2 =	slt.u32 s8, $0xFFFFF086  }
0x1c: {  	p1 =	slt.u32 s9, $0xF7A;
	s5 =	simm.s32 @!p2 $0x0  }
0x1d: {  	s5 =	simm.s32 @p1 $0x1;
	p0 =	seq.s32 s7, s2  }
0x1e: {  	s7 =	smul.u32 @!p0 $0xF7A, s2;
	p2 =	seq.s32 @!p0 s5, $0x0  }
0x1f: {  	s9 =	smul.u32 $0xF7A, s1;
	s8 =	simm.s32 @!p0 $0x1BF5;
	p2 =	por !p2, p0  }
0x20: {  	[sflag:s8] =	ssyncset.s32 @!p0 $0xFFFFF086;
	s6 =	sadd.s32 @!p0 s3, s7;
	s7 =	simm.s32 @!p0 $0x108  }
0x21: {  	s3 =	sadd.s32 s3, s9;
	s6 =	sadd.s32 @!p0 $0x88, s6;
	s7 =	simm.s32 @p2 $0x1082  }
0x22: {  	[simem:s7], [sflag:s8] =	dma.local @!p0 [hbm:s6], $0xF7A  }
0x23: {  	s9 =	sor.u32 $0xD0000000, s2;
	s6 =	simm.s32 $0x108;
	_ =	swait.ge @!p0 [sflag:s8], $0x0  }
0x24: {  	s3 =	sadd.s32 $0x88, s3;
	s6 =	simm.s32 @!p1 $0x1082;
	[sflag:s4] =	ssyncset.s32 $0xFFFFF086  }
0x25: {  	[simem:s6], [sflag:s4] =	dma.local [hbm:s3], $0xF7A  }
0x26: {  	[smem:$0x3F9B] =	sst s1;
	(tag) =	ssettag s2;
	_ =	strace s9  }
0x27: {  	s1 =	sld [smem:$0x3FAB]  }
0x28: {  	s2 =	sld [smem:$0x3FAC]  }
0x29: {  	s4 =	sld [smem:$0x3FAE]  }
0x2a: {  	p0 =	seq.s32 s5, $0x0;
	s5 =	sld [smem:$0x3FAF]  }
0x2b: {  	s6 =	sld [smem:$0x3FB0]  }
0x2c: {  	s7 =	sld [smem:$0x3FB1]  }
0x2d: {  	s3 =	simm.s32 $0x108;
	s8 =	sld [smem:$0x3FB2]  }
0x2e: {  	s3 =	simm.s32 @!p0 $0x1082;
	s9 =	sld [smem:$0x3FB3]  }
0x2f: {  	lr =	sadd.s32 s0, s3;
	s0 =	sld [smem:$0x3FAA]  }
0x30: {  	s3 =	sld [smem:$0x3FAD]  }
0x31: {  	[smem:$0x3FB6] =	sst s10  }
0x32: {  	s10 =	sld [smem:$0x3FB4];
	_ =	sdelay $0x3  }
0x33: {  	p0 =	seq.s32 s10, $0x1;
	s10 =	sld [smem:$0x3FB6];
	_ =	sdelay $0x3  }
0x34: {  	[smem:$0x3FB6] =	sst s10  }
0x35: {  	s10 =	sld [smem:$0x3FB5];
	_ =	sdelay $0x3  }
0x36: {  	p1 =	seq.s32 s10, $0x1;
	s10 =	sld [smem:$0x3FB6];
	_ =	sdelay $0x3  }
0x37: {  	[smem:$0x3FB6] =	sst s10  }
0x38: {  	s10 =	sld [smem:$0x3FB7]  }
0x39: {  	_ = 	snop;
	(pc) =	sbr.ind lr, $3  }
0x3a: {  	_ = 	snop  }
0x3b: {  	_ = 	snop  }
0x3c: {  	p2 =	seq.s32 s10, $0x1;
	s10 =	sld [smem:$0x3FB6]  }
0x3d: {  	_ =	shalt  }
0x3e: {  	_ =	shalt  }
0x3f: {  	_ =	shalt  }
0x40: {  	_ =	shalt  }
0x41: {  	_ =	shalt  }
0x42: {  	_ =	shalt  }
0x43: {  	_ =	shalt  }
0x44: {  	_ =	shalt  }
0x45: {  	_ =	shalt  }
0x46: {  	_ =	shalt  }
0x47: {  	_ =	shalt  }
0x48: {  	_ =	shalt  }
0x49: {  	_ =	shalt  }
0x4a: {  	_ =	shalt  }
0x4b: {  	_ =	shalt  }
0x4c: {  	_ =	shalt  }
0x4d: {  	_ =	shalt  }
0x4e: {  	_ =	shalt  }
0x4f: {  	_ =	shalt  }
0x50: {  	_ =	shalt  }
0x51: {  	_ =	shalt  }
0x52: {  	_ =	shalt  }
0x53: {  	_ =	shalt  }
0x54: {  	_ =	shalt  }
0x55: {  	_ =	shalt  }
0x56: {  	_ =	shalt  }
0x57: {  	_ =	shalt  }
0x58: {  	_ =	shalt  }
0x59: {  	_ =	shalt  }
0x5a: {  	_ =	shalt  }
0x5b: {  	_ =	shalt  }
0x5c: {  	_ =	shalt  }
0x5d: {  	_ =	shalt  }
0x5e: {  	_ =	shalt  }
0x5f: {  	_ =	shalt  }
0x60: {  	_ =	shalt  }
0x61: {  	_ =	shalt  }
0x62: {  	_ =	shalt  }
0x63: {  	_ =	shalt  }
0x64: {  	_ =	shalt  }
0x65: {  	_ =	shalt  }
0x66: {  	_ =	shalt  }
0x67: {  	_ =	shalt  }
0x68: {  	_ =	shalt  }
0x69: {  	_ =	shalt  }
0x6a: {  	_ =	shalt  }
0x6b: {  	_ =	shalt  }
0x6c: {  	_ =	shalt  }
0x6d: {  	_ =	shalt  }
0x6e: {  	_ =	shalt  }
0x6f: {  	_ =	shalt  }
0x70: {  	_ =	shalt  }
0x71: {  	_ =	shalt  }
0x72: {  	_ =	shalt  }
0x73: {  	_ =	shalt  }
0x74: {  	_ =	shalt  }
0x75: {  	_ =	shalt  }
0x76: {  	_ =	shalt  }
0x77: {  	_ =	shalt  }
0x78: {  	_ =	shalt  }
0x79: {  	_ =	shalt  }
0x7a: {  	_ =	shalt  }
0x7b: {  	_ =	shalt  }
0x7c: {  	_ =	shalt  }
0x7d: {  	_ =	shalt  }
0x7e: {  	_ =	shalt  }
0x7f: {  	_ =	shalt  }
0x80: {  	_ =	shalt  }
0x81: {  	_ =	shalt  }
0x82: {  	_ =	shalt  }
0x83: {  	_ =	shalt  }
0x84: {  	_ =	shalt  }
0x85: {  	_ =	shalt  }
0x86: {  	_ =	shalt  }
0x87: {  	_ =	shalt  }
.Lfunc_end0:
.L_simem_size_0:
called_computation.1_lowered:
.L_overlay_start_0:
0x88: {  	s2 =	sld [smem:$0x3FD9]  }
0x89: {  	s3 =	sld [smem:$0x3FFE];
	_ =	sdelay $0x1  }
0x8a: {  	s1 =	srdreg.scid  }
0x8b: {  	s0 =	sand.u32 $0x1, s1  }
0x8c: {  	s17 =	sshll.u32 s0, $0xA;
	s2 =	sadd.s32 s3, s2  }
0x8d: {  	s2 =	sadd.s32 s2, s17  }
0x8e: {  	[smem:$0x3FC2] =	sst s2  }
0x8f: {  	_ = 	snop  }
0x90: {  	s2 =	sld [smem:$0x3FD0];
	(tm) =	ssettm $0x1  }
0x91: {  	s18 =	sld [smem:$0x3FFB];
	_ =	sdelay $0x3  }
0x92: {  	_ =	strace s18  }
0x93: {  	s3 =	sld [smem:$0x3FFC];
	_ =	sdelay $0x3  }
0x94: {  	_ =	strace s3  }
0x95: {  	s3 =	sld [smem:$0x3FFD];
	_ =	sdelay $0x3  }
0x96: {  	_ =	strace s3  }
0x97: {  	_ =	strace $0x8FFFFFFF  }
0x98: {  	s19 =	sld [smem:$0x3FDB];
	_ =	sdelay $0x1  }
0x99: {  	s4 =	simm.s32 $_scs_section_size  }
0x9a: {  	s5 =	simm.s32 $_size__tile_overlayer_lowered;
	s6 =	simm.s32 $_tile_overlayer_lowered  }
0x9b: {  	s22 =	simm.s32 $0x1BFF;
	s21 =	sshll.u32 s6, $0x1;
	s3 =	sadd.s32 s4, s19  }
0x9c: {  	s7 =	simm.s32 $0x0;
	s20 =	sshll.u32 s5, $0x1;
	s5 =	sadd.s32 s21, s3  }
0x9d: {  	[timem:s7], [sflag:s22] =	dma.local [hbm:s5], s20  }
0x9e: {  	_ =	swait.ge [sflag:s22], s20  }
0x9f: {  	s4 =	ssub.s32 $0x0, s20;
	[sflag:s22] =	ssyncset.done $0x0  }
0xa0: {  	[sflag:s22] =	ssyncadd.s32 s4;
	_ =	sdelay $0x1  }
0xa1: {  	s23 =	simm.s32 $0x1B8B  }
0xa2: {  	_ =	swait.ge [sflag:s23], $0x1  }
0xa3: {  	[sflag:s23] =	ssyncset.done $0x0  }
0xa4: {  	s25 =	simm.s32 $0x1B8E;
	s24 =	sld [smem:$0x3FFE];
	[sflag:s23] =	ssyncadd.s32 $0xFFFFFFFF  }
0xa5: {  	s26 =	simm.s32 $execute0_lowered;
	[smem:$0x3FD2] =	sst s25  }
0xa6: {  	s5 =	sshll.u32 s26, $0x1;
	_ =	strace $0x80000049;
	[dreg:$0x1] =	wrdreg $0xFFFFFFFF  }
0xa7: {  	s28 =	simm.s32 $_size_execute0_lowered;
	s3 =	sadd.s32 s3, s5;
	[dreg:$0x0] =	wrdreg $0x0  }
0xa8: {  	s5 =	sshll.u32 s28, $0x1;
	[dreg:$0x2] =	wrdreg s3  }
0xa9: {  	[dreg:$0x3] =	wrdreg s5  }
0xaa: {  	[dreg:$0x4] =	wrdreg $0xC0  }
0xab: {  	_ =	task [dreg:s7], $0x5FFFF  }
0xac: {  	[dreg:$0x1] =	wrdreg $0xFFFFFFFF  }
0xad: {  	[dreg:$0x0] =	wrdreg $0x60  }
0xae: {  	[dreg:$0x2] =	wrdreg s24  }
0xaf: {  	[dreg:$0x3] =	wrdreg s2  }
0xb0: {  	[dreg:$0x4] =	wrdreg $0xA8000  }
0xb1: {  	[dreg:$0x5] =	wrdreg $0x9  }
0xb2: {  	_ =	task.clear_ibuf [dreg:s7], $0x6FFFF;
	_ =	strace $0x90000049  }
0xb3: {  	s29 =	simm.s32 $0x9;
	_ =	strace $0x8000004B  }
0xb4: {  	_ =	swait.ge [sflag:s29], $0x1  }
0xb5: {  	[sflag:s29] =	ssyncadd.s32 $0xFFFFFFFF  }
0xb6: {  	_ =	strace $0x9000004B  }
0xb7: {  	_ =	sfence  }
0xb8: {  	s30 =	sld [smem:$0x0];
	_ =	sdelay $0x2  }
0xb9: {  	s31 =	sshll.u32 s1, $0xD;
	s1 =	sshrl.u32 s1, $0x2  }
0xba: {  	s3 =	sand.u32 $0x4000, s31;
	s1 =	sadd.s32 s1, s30  }
0xbb: {  	s0 =	sor.u32 s3, s0;
	s1 =	sshll.u32 s1, $0x11  }
0xbc: {  	s0 =	sor.u32 s1, s0  }
0xbd: {  	s0 =	sadd.s32 $0x8F2B, s0  }
0xbe: {  	[sflag:s0] =	ssyncadd.remote.s32 $0x1  }
0xbf: {  	_ =	sfence.sel $0xFFFF  }
0xc0: {  	[dreg:$0x0] =	wrdreg $0xFFFFFFFF;
	(pc) =	sbr.abs _section_cstart, $3  }
0xc1: {  	[dreg:$0x1] =	wrdreg $0xFFFFFFFF  }
0xc2: {  	_ =	task.clear_ibuf [dreg:s7], $0x2FFFF;
	_ =	strace $0x9FFFFFFF  }
0xc3: {  	(tm) =	ssettm $0x7FFFFFFF  }
tec
execute0_lowered:
.L_overlay_start_1:
0x0: {  	(tag) =	ssettag $0x1  }
0x1: {  	s5 =	rddreg [dreg:$0x0]  }
0x2: {  	s15 =	rddreg [dreg:$0x1];
	s0 =	srdreg.scid  }
0x3: {  	s2 =	rddreg [dreg:$0x2];
	s1 =	stileid.u32;
	s3 =	simm.s32 $0x0  }
0x4: {  	s17 =	simm.s32 $0x3;
	s18 =	simm.s32 $0x1400;
	s19 =	simm.s32 $0x80  }
0x5: {  	s20 =	simm.s32 $0x6800;
	s21 =	simm.s32 $0x1;
	s22 =	simm.s32 $0x2  }
0x6: {  	s23 =	simm.s32 $0x1380;
	s24 =	simm.s32 $0x2700;
	s25 =	simm.s32 $0x2780  }
0x7: {  	s26 =	simm.s32 $0x0;
	s6 =	sand.u32 $0x1, s0;
	s7 =	smul.u32 $0x14000, s1  }
0x8: {  	[smem:$0x7FF] =	sst s3;
	s8 =	smul.u32 $0x50000, s1;
	s14 =	sadd.s32 $0x2000, s5  }
0x9: {  	s28 =	sshll.u32 s1, $0x1;
	s4 =	smul.u32 $0x140000, s6;
	_ =	strace $0x8000004A  }
0xa: {  	s29 =	ssub.s32 $0x2, s6;
	s6 =	sor.u32 s6, s28;
	s30 =	sshrl.u32 s8, $0x2  }
0xb: {  	s31 =	sshrl.u32 s29, $0x1;
	s11 =	smul.u32 $0x2800, s6;
	s7 =	sadd.s32 s7, s4  }
0xc: {  	s4 =	sadd.s32 $0xC000, s5;
	s12 =	ssub.s32 s29, s31;
	s7 =	sshrl.u32 s7, $0x3  }
0xd: {  	s13 =	sshrl.u32 s11, $0x3;
	s11 =	smax.u32 s12, $0x1;
	s10 =	sadd.s32 s7, s5  }
0xe: {  	s5 =	sadd.s32 s30, s2;
	s16 =	sadd.s32 $0x280, s13;
	s12 =	sadd.s32 s14, s13  }
0xf: {  	s13 =	sadd.s32 s15, s13;
	s6 =	sadd.s32 $0x4000, s5;
	s7 =	sadd.s32 $0x8000, s5  }
0x10: {  	s8 =	sadd.s32 $0xC000, s5;
	s9 =	sadd.s32 $0x10000, s5;
	s10 =	sadd.s32 $0x34000, s10  }
0x11: {  	v0 =	vimm.f32 $0.0e+00;
	s14 =	sadd.s32 s14, s16;
	s15 =	sadd.s32 s15, s16;
	s16 =	simm.s32 $0x2800  }
.LBB2_1:
0x12: {  	s28 =	sand.u32 $0xFE00, s3  }
0x13: {  	s29 =	sand.u32 $0x70, s3;
	s30 =	sshrl.u32 s28, $0x2  }
0x14: {  	s28 =	simm.s32 $0x40;
	s30 =	sor.u32 s29, s30;
	s29 =	simm.s32 $0x0  }
.LBB2_2:
0x15: {  	p0 =	sne.s32 s28, $0xFFC0  }
0x16: {  	[tilespmem:s30+$0x2800] =	vst v0;
	s29 =	sadd.s32 $0x10, s29;
	s30 =	smov.u32 s28;
	s28 =	sadd.s32 $0x40, s28  }
.Ltmp0:
0x17: {  	(pc) =	sbr.rel @p0 .LBB2_2-.Ltmp0, $4  }
0x18: {  	_ = 	snop  }
0x19: {  	s30 =	sand.u32 $0xFE00, s30  }
0x1a: {  	s31 =	sand.u32 $0x70, s29;
	s30 =	sshrl.u32 s30, $0x2  }
0x1b: {  	s30 =	sor.u32 s31, s30  }
0x1c: {  	[tilespmem:s30+$0x2800] =	vst v0  }
0x1d: {  	[spmem:s5] =	stream.linear.scatter [tilespmem:s16], [sflag:$0x3], $0x4000, $0x38;
	[tilespmem:$0x1E800] =	vst v63  }
0x1e: {  	_ =	swait.ge [sflag:s17], $0x4000  }
0x1f: {  	[sflag:s17] =	ssyncset.done $0x0  }
0x20: {  	[sflag:s17] =	ssyncadd.s32 $0xFFFFC000  }
0x21: {  	[spmem:s6] =	stream.linear.scatter [tilespmem:s16], [sflag:$0x3], $0x4000, $0x38;
	[tilespmem:$0x1E800] =	vst v63  }
0x22: {  	_ =	swait.ge [sflag:s17], $0x4000  }
0x23: {  	[sflag:s17] =	ssyncset.done $0x0  }
0x24: {  	[sflag:s17] =	ssyncadd.s32 $0xFFFFC000  }
0x25: {  	[spmem:s7] =	stream.linear.scatter [tilespmem:s16], [sflag:$0x3], $0x4000, $0x38;
	[tilespmem:$0x1E800] =	vst v63  }
0x26: {  	_ =	swait.ge [sflag:s17], $0x4000  }
0x27: {  	[sflag:s17] =	ssyncset.done $0x0  }
0x28: {  	[sflag:s17] =	ssyncadd.s32 $0xFFFFC000  }
0x29: {  	[spmem:s8] =	stream.linear.scatter [tilespmem:s16], [sflag:$0x3], $0x4000, $0x38;
	[tilespmem:$0x1E800] =	vst v63  }
0x2a: {  	_ =	swait.ge [sflag:s17], $0x4000  }
0x2b: {  	[sflag:s17] =	ssyncset.done $0x0  }
0x2c: {  	[sflag:s17] =	ssyncadd.s32 $0xFFFFC000  }
0x2d: {  	[spmem:s9] =	stream.linear.scatter [tilespmem:s16], [sflag:$0x3], $0x4000, $0x38;
	[tilespmem:$0x1E800] =	vst v63  }
0x2e: {  	_ =	swait.ge [sflag:s17], $0x4000  }
0x2f: {  	[sflag:s17] =	ssyncset.done $0x0  }
0x30: {  	[sflag:s17] =	ssyncadd.s32 $0xFFFFC000  }
0x31: {  	s28 =	simm.s32 $0x0;
	[bflag:$0x0] =	sbarrier.arrive $0xFFFF  }
0x32: {  	[tilespmem:s28], [sflag:$0x3] =	stream.linear.gather [hbm4b:s12+s28], $0x1400, $0x38;
	[tilespmem:$0x1E800] =	vst v63  }
0x33: {  	_ =	swait.ge [sflag:s17], $0x1400  }
0x34: {  	[sflag:s17] =	ssyncset.done $0x0  }
0x35: {  	[sflag:s17] =	ssyncadd.s32 $0xFFFFEC00  }
0x36: {  	[tilespmem:s18], [sflag:$0x3] =	stream.linear.gather [hbm4b:s13+s28], $0x1400, $0x38;
	[tilespmem:$0x1E800] =	vst v63  }
0x37: {  	_ =	swait.ge [sflag:s17], $0x1400  }
0x38: {  	[sflag:s17] =	ssyncset.done $0x0  }
0x39: {  	[sflag:s17] =	ssyncadd.s32 $0xFFFFEC00  }
0x3a: {  	[tilespmem:s16], [sflag:$0x1] =	stream.indirect.gather [hbm4b:s4+s19], $0x80, s28, s19, $0xb8;
	[tilespmem:$0x1E800] =	vst v63  }
0x3b: {  	s28 =	simm.s32 $0x80  }
0x3c: {  	[tilespmem:s20], [sflag:$0x2] =	stream.indirect.gather [hbm4b:s4+s19], $0x80, s28, s19, $0xb8;
	[tilespmem:$0x1E800] =	vst v63  }
0x3d: {  	_ =	swait.ge [sflag:s21], $0x4000  }
0x3e: {  	[sflag:s21] =	ssyncset.done $0x0  }
0x3f: {  	s28 =	simm.s32 $0x1400;
	[sflag:s21] =	ssyncadd.s32 $0xFFFFC000  }
0x40: {  	[spmem:s2] =	stream.indirect.scatter.add.f32 [tilespmem:s16], [sflag:$0x3], $0x80, s28, s19, $0xb8;
	[tilespmem:$0x1E800] =	vst v63  }
0x41: {  	_ =	swait.ge [sflag:s17], $0x4000  }
0x42: {  	[sflag:s17] =	ssyncset.done $0x0  }
0x43: {  	s28 =	simm.s32 $0x100;
	[sflag:s17] =	ssyncadd.s32 $0xFFFFC000  }
0x44: {  	[tilespmem:s16], [sflag:$0x1] =	stream.indirect.gather [hbm4b:s4+s19], $0x80, s28, s19, $0xb8;
	[tilespmem:$0x1E800] =	vst v63  }
0x45: {  	_ =	swait.ge [sflag:s22], $0x4000  }
0x46: {  	[sflag:s22] =	ssyncset.done $0x0  }
0x47: {  	s28 =	simm.s32 $0x1480;
	[sflag:s22] =	ssyncadd.s32 $0xFFFFC000  }
0x48: {  	[spmem:s2] =	stream.indirect.scatter.add.f32 [tilespmem:s20], [sflag:$0x3], $0x80, s28, s19, $0xb8;
	[tilespmem:$0x1E800] =	vst v63  }
0x49: {  	_ =	swait.ge [sflag:s17], $0x4000  }
0x4a: {  	s29 =	simm.s32 $0x800;
	s28 =	simm.s32 $0x100;
	[sflag:s17] =	ssyncset.done $0x0  }
.LBB2_4:
0x4b: {  	s30 =	sadd.s32 $0x80, s28  }
0x4c: {  	[sflag:s17] =	ssyncadd.s32 $0xFFFFC000;
	s31 =	smov.u32 s29;
	s0 =	sadd.s32 $0x400, s29  }
0x4d: {  	[tilespmem:s20], [sflag:$0x2] =	stream.indirect.gather [hbm4b:s4+s19], $0x80, s30, s19, $0xb8;
	[tilespmem:$0x1E800] =	vst v63  }
0x4e: {  	p0 =	sne.s32 s29, $0x4800;
	_ =	swait.ge [sflag:s21], $0x4000  }
0x4f: {  	[sflag:s21] =	ssyncset.done $0x0  }
0x50: {  	s29 =	sadd.s32 $0x1400, s28;
	[sflag:s21] =	ssyncadd.s32 $0xFFFFC000  }
0x51: {  	[spmem:s2] =	stream.indirect.scatter.add.f32 [tilespmem:s16], [sflag:$0x3], $0x80, s29, s19, $0xb8;
	[tilespmem:$0x1E800] =	vst v63  }
0x52: {  	_ =	swait.ge [sflag:s17], $0x4000  }
0x53: {  	[sflag:s17] =	ssyncset.done $0x0  }
0x54: {  	s29 =	sadd.s32 $0x100, s28;
	[sflag:s17] =	ssyncadd.s32 $0xFFFFC000  }
0x55: {  	[tilespmem:s16], [sflag:$0x1] =	stream.indirect.gather [hbm4b:s4+s19], $0x80, s29, s19, $0xb8;
	[tilespmem:$0x1E800] =	vst v63  }
0x56: {  	_ =	swait.ge [sflag:s22], $0x4000  }
.Ltmp1:
0x57: {  	[sflag:s22] =	ssyncset.done $0x0;
	(pc) =	sbr.rel @p0 .LBB2_4-.Ltmp1, $4  }
0x58: {  	s28 =	sadd.s32 $0x1480, s28;
	[sflag:s22] =	ssyncadd.s32 $0xFFFFC000  }
0x59: {  	[spmem:s2] =	stream.indirect.scatter.add.f32 [tilespmem:s20], [sflag:$0x3], $0x80, s28, s19, $0xb8;
	[tilespmem:$0x1E800] =	vst v63  }
0x5a: {  	_ =	swait.ge [sflag:s17], $0x4000  }
0x5b: {  	s29 =	smov.u32 s0;
	s28 =	sshra.s32 s31, $0x2;
	[sflag:s17] =	ssyncset.done $0x0  }
0x5c: {  	s0 =	sadd.s32 $0x80, s28;
	[sflag:s17] =	ssyncadd.s32 $0xFFFFC000  }
0x5d: {  	[tilespmem:s20], [sflag:$0x2] =	stream.indirect.gather [hbm4b:s4+s19], $0x80, s0, s19, $0xb8;
	[tilespmem:$0x1E800] =	vst v63  }
0x5e: {  	_ =	swait.ge [sflag:s21], $0x4000  }
0x5f: {  	[sflag:s21] =	ssyncset.done $0x0  }
0x60: {  	s30 =	sadd.s32 $0x1400, s28;
	[sflag:s21] =	ssyncadd.s32 $0xFFFFC000  }
0x61: {  	[spmem:s2] =	stream.indirect.scatter.add.f32 [tilespmem:s16], [sflag:$0x3], $0x80, s30, s19, $0xb8;
	[tilespmem:$0x1E800] =	vst v63  }
0x62: {  	_ =	swait.ge [sflag:s17], $0x4000  }
0x63: {  	[sflag:s17] =	ssyncset.done $0x0  }
0x64: {  	s31 =	sadd.s32 $0x100, s28;
	[sflag:s17] =	ssyncadd.s32 $0xFFFFC000  }
0x65: {  	[tilespmem:s16], [sflag:$0x1] =	stream.indirect.gather [hbm4b:s4+s19], $0x80, s31, s19, $0xb8;
	[tilespmem:$0x1E800] =	vst v63  }
0x66: {  	_ =	swait.ge [sflag:s22], $0x4000  }
0x67: {  	[sflag:s22] =	ssyncset.done $0x0  }
0x68: {  	s30 =	sadd.s32 $0x1480, s28;
	[sflag:s22] =	ssyncadd.s32 $0xFFFFC000  }
0x69: {  	[spmem:s2] =	stream.indirect.scatter.add.f32 [tilespmem:s20], [sflag:$0x3], $0x80, s30, s19, $0xb8;
	[tilespmem:$0x1E800] =	vst v63  }
0x6a: {  	_ =	swait.ge [sflag:s17], $0x4000  }
0x6b: {  	[sflag:s17] =	ssyncset.done $0x0  }
0x6c: {  	[sflag:s17] =	ssyncadd.s32 $0xFFFFC000  }
0x6d: {  	[tilespmem:s20], [sflag:$0x2] =	stream.indirect.gather [hbm4b:s4+s19], $0x80, s23, s19, $0xb8;
	[tilespmem:$0x1E800] =	vst v63  }
0x6e: {  	_ =	swait.ge [sflag:s21], $0x4000  }
0x6f: {  	[sflag:s21] =	ssyncset.done $0x0  }
0x70: {  	[sflag:s21] =	ssyncadd.s32 $0xFFFFC000  }
0x71: {  	[spmem:s2] =	stream.indirect.scatter.add.f32 [tilespmem:s16], [sflag:$0x3], $0x80, s24, s19, $0xb8;
	[tilespmem:$0x1E800] =	vst v63  }
0x72: {  	_ =	swait.ge [sflag:s17], $0x4000  }
0x73: {  	[sflag:s17] =	ssyncset.done $0x0  }
0x74: {  	s31 =	simm.s32 $0x0;
	[sflag:s17] =	ssyncadd.s32 $0xFFFFC000  }
0x75: {  	[tilespmem:s16], [sflag:$0x1] =	stream.indirect.gather [hbm4b:s4+s19], $0x80, s31, s19, $0xb8;
	[tilespmem:$0x1E800] =	vst v63  }
0x76: {  	_ =	swait.ge [sflag:s22], $0x4000  }
0x77: {  	[sflag:s22] =	ssyncset.done $0x0  }
0x78: {  	[sflag:s22] =	ssyncadd.s32 $0xFFFFC000  }
0x79: {  	[spmem:s2] =	stream.indirect.scatter.add.f32 [tilespmem:s20], [sflag:$0x3], $0x80, s25, s19, $0xb8;
	[tilespmem:$0x1E800] =	vst v63  }
0x7a: {  	_ =	swait.ge [sflag:s17], $0x4000  }
0x7b: {  	[sflag:s17] =	ssyncset.done $0x0  }
0x7c: {  	[sflag:s17] =	ssyncadd.s32 $0xFFFFC000  }
0x7d: {  	_ =	swait.ge [sflag:s21], $0x4000  }
0x7e: {  	[sflag:s21] =	ssyncset.done $0x0  }
0x7f: {  	[sflag:s21] =	ssyncadd.s32 $0xFFFFC000  }
0x80: {  	[tilespmem:s31], [sflag:$0x3] =	stream.linear.gather [hbm4b:s14+s31], $0x1400, $0x38;
	[tilespmem:$0x1E800] =	vst v63  }
0x81: {  	_ =	swait.ge [sflag:s17], $0x1400  }
0x82: {  	[sflag:s17] =	ssyncset.done $0x0  }
0x83: {  	[sflag:s17] =	ssyncadd.s32 $0xFFFFEC00  }
0x84: {  	[tilespmem:s18], [sflag:$0x3] =	stream.linear.gather [hbm4b:s15+s31], $0x1400, $0x38;
	[tilespmem:$0x1E800] =	vst v63  }
0x85: {  	_ =	swait.ge [sflag:s17], $0x1400  }
0x86: {  	[sflag:s17] =	ssyncset.done $0x0  }
0x87: {  	[sflag:s17] =	ssyncadd.s32 $0xFFFFEC00  }
0x88: {  	[tilespmem:s16], [sflag:$0x1] =	stream.indirect.gather [hbm4b:s4+s19], $0x80, s31, s19, $0xb8;
	[tilespmem:$0x1E800] =	vst v63  }
0x89: {  	s30 =	simm.s32 $0x80  }
0x8a: {  	[tilespmem:s20], [sflag:$0x2] =	stream.indirect.gather [hbm4b:s4+s19], $0x80, s30, s19, $0xb8;
	[tilespmem:$0x1E800] =	vst v63  }
0x8b: {  	_ =	swait.ge [sflag:s21], $0x4000  }
0x8c: {  	[sflag:s21] =	ssyncset.done $0x0  }
0x8d: {  	s31 =	simm.s32 $0x1400;
	[sflag:s21] =	ssyncadd.s32 $0xFFFFC000  }
0x8e: {  	[spmem:s2] =	stream.indirect.scatter.add.f32 [tilespmem:s16], [sflag:$0x3], $0x80, s31, s19, $0xb8;
	[tilespmem:$0x1E800] =	vst v63  }
0x8f: {  	_ =	swait.ge [sflag:s17], $0x4000  }
0x90: {  	[sflag:s17] =	ssyncset.done $0x0  }
0x91: {  	s30 =	simm.s32 $0x100;
	[sflag:s17] =	ssyncadd.s32 $0xFFFFC000  }
0x92: {  	[tilespmem:s16], [sflag:$0x1] =	stream.indirect.gather [hbm4b:s4+s19], $0x80, s30, s19, $0xb8;
	[tilespmem:$0x1E800] =	vst v63  }
0x93: {  	_ =	swait.ge [sflag:s22], $0x4000  }
0x94: {  	[sflag:s22] =	ssyncset.done $0x0  }
0x95: {  	s31 =	simm.s32 $0x1480;
	[sflag:s22] =	ssyncadd.s32 $0xFFFFC000  }
0x96: {  	[spmem:s2] =	stream.indirect.scatter.add.f32 [tilespmem:s20], [sflag:$0x3], $0x80, s31, s19, $0xb8;
	[tilespmem:$0x1E800] =	vst v63  }
0x97: {  	_ =	swait.ge [sflag:s17], $0x4000  }
0x98: {  	s29 =	simm.s32 $0x800;
	s28 =	simm.s32 $0x100;
	[sflag:s17] =	ssyncset.done $0x0  }
.LBB2_6:
0x99: {  	s0 =	sadd.s32 $0x80, s28  }
0x9a: {  	[sflag:s17] =	ssyncadd.s32 $0xFFFFC000;
	s30 =	smov.u32 s29;
	s31 =	sadd.s32 $0x400, s29  }
0x9b: {  	[tilespmem:s20], [sflag:$0x2] =	stream.indirect.gather [hbm4b:s4+s19], $0x80, s0, s19, $0xb8;
	[tilespmem:$0x1E800] =	vst v63  }
0x9c: {  	p0 =	sne.s32 s29, $0x4800;
	_ =	swait.ge [sflag:s21], $0x4000  }
0x9d: {  	[sflag:s21] =	ssyncset.done $0x0  }
0x9e: {  	s0 =	sadd.s32 $0x1400, s28;
	[sflag:s21] =	ssyncadd.s32 $0xFFFFC000  }
0x9f: {  	[spmem:s2] =	stream.indirect.scatter.add.f32 [tilespmem:s16], [sflag:$0x3], $0x80, s0, s19, $0xb8;
	[tilespmem:$0x1E800] =	vst v63  }
0xa0: {  	_ =	swait.ge [sflag:s17], $0x4000  }
0xa1: {  	[sflag:s17] =	ssyncset.done $0x0  }
0xa2: {  	s0 =	sadd.s32 $0x100, s28;
	[sflag:s17] =	ssyncadd.s32 $0xFFFFC000  }
0xa3: {  	[tilespmem:s16], [sflag:$0x1] =	stream.indirect.gather [hbm4b:s4+s19], $0x80, s0, s19, $0xb8;
	[tilespmem:$0x1E800] =	vst v63  }
0xa4: {  	_ =	swait.ge [sflag:s22], $0x4000  }
.Ltmp2:
0xa5: {  	[sflag:s22] =	ssyncset.done $0x0;
	(pc) =	sbr.rel @p0 .LBB2_6-.Ltmp2, $4  }
0xa6: {  	s0 =	sadd.s32 $0x1480, s28;
	[sflag:s22] =	ssyncadd.s32 $0xFFFFC000  }
0xa7: {  	[spmem:s2] =	stream.indirect.scatter.add.f32 [tilespmem:s20], [sflag:$0x3], $0x80, s0, s19, $0xb8;
	[tilespmem:$0x1E800] =	vst v63  }
0xa8: {  	_ =	swait.ge [sflag:s17], $0x4000  }
0xa9: {  	s29 =	smov.u32 s31;
	s28 =	sshra.s32 s30, $0x2;
	[sflag:s17] =	ssyncset.done $0x0  }
0xaa: {  	s0 =	sadd.s32 $0x80, s28;
	[sflag:s17] =	ssyncadd.s32 $0xFFFFC000  }
0xab: {  	[tilespmem:s20], [sflag:$0x2] =	stream.indirect.gather [hbm4b:s4+s19], $0x80, s0, s19, $0xb8;
	[tilespmem:$0x1E800] =	vst v63  }
0xac: {  	_ =	swait.ge [sflag:s21], $0x4000  }
0xad: {  	[sflag:s21] =	ssyncset.done $0x0  }
0xae: {  	s30 =	sadd.s32 $0x1400, s28;
	[sflag:s21] =	ssyncadd.s32 $0xFFFFC000  }
0xaf: {  	[spmem:s2] =	stream.indirect.scatter.add.f32 [tilespmem:s16], [sflag:$0x3], $0x80, s30, s19, $0xb8;
	[tilespmem:$0x1E800] =	vst v63  }
0xb0: {  	_ =	swait.ge [sflag:s17], $0x4000  }
0xb1: {  	[sflag:s17] =	ssyncset.done $0x0  }
0xb2: {  	s31 =	sadd.s32 $0x100, s28;
	[sflag:s17] =	ssyncadd.s32 $0xFFFFC000  }
0xb3: {  	[tilespmem:s16], [sflag:$0x1] =	stream.indirect.gather [hbm4b:s4+s19], $0x80, s31, s19, $0xb8;
	[tilespmem:$0x1E800] =	vst v63  }
0xb4: {  	_ =	swait.ge [sflag:s22], $0x4000  }
0xb5: {  	[sflag:s22] =	ssyncset.done $0x0  }
0xb6: {  	s29 =	sadd.s32 $0x1480, s28;
	[sflag:s22] =	ssyncadd.s32 $0xFFFFC000  }
0xb7: {  	[spmem:s2] =	stream.indirect.scatter.add.f32 [tilespmem:s20], [sflag:$0x3], $0x80, s29, s19, $0xb8;
	[tilespmem:$0x1E800] =	vst v63  }
0xb8: {  	_ =	swait.ge [sflag:s17], $0x4000  }
0xb9: {  	[sflag:s17] =	ssyncset.done $0x0  }
0xba: {  	[sflag:s17] =	ssyncadd.s32 $0xFFFFC000  }
0xbb: {  	[tilespmem:s20], [sflag:$0x2] =	stream.indirect.gather [hbm4b:s4+s19], $0x80, s23, s19, $0xb8;
	[tilespmem:$0x1E800] =	vst v63  }
0xbc: {  	_ =	swait.ge [sflag:s21], $0x4000  }
0xbd: {  	[sflag:s21] =	ssyncset.done $0x0  }
0xbe: {  	[sflag:s21] =	ssyncadd.s32 $0xFFFFC000  }
0xbf: {  	[spmem:s2] =	stream.indirect.scatter.add.f32 [tilespmem:s16], [sflag:$0x3], $0x80, s24, s19, $0xb8;
	[tilespmem:$0x1E800] =	vst v63  }
0xc0: {  	_ =	swait.ge [sflag:s17], $0x4000  }
0xc1: {  	[sflag:s17] =	ssyncset.done $0x0  }
0xc2: {  	[sflag:s17] =	ssyncadd.s32 $0xFFFFC000  }
0xc3: {  	[tilespmem:s16], [sflag:$0x1] =	stream.indirect.gather [hbm4b:s4+s19], $0x80, s3, s19, $0xb8;
	[tilespmem:$0x1E800] =	vst v63  }
0xc4: {  	_ =	swait.ge [sflag:s22], $0x4000  }
0xc5: {  	[sflag:s22] =	ssyncset.done $0x0  }
0xc6: {  	[sflag:s22] =	ssyncadd.s32 $0xFFFFC000  }
0xc7: {  	[spmem:s2] =	stream.indirect.scatter.add.f32 [tilespmem:s20], [sflag:$0x3], $0x80, s25, s19, $0xb8;
	[tilespmem:$0x1E800] =	vst v63  }
0xc8: {  	_ =	swait.ge [sflag:s17], $0x4000  }
0xc9: {  	[sflag:s17] =	ssyncset.done $0x0  }
0xca: {  	[sflag:s17] =	ssyncadd.s32 $0xFFFFC000  }
0xcb: {  	_ =	swait.ge [sflag:s21], $0x4000  }
0xcc: {  	s26 =	sadd.s32 $0x1, s26;
	s30 =	sshll.u32 s1, $0x6;
	[sflag:s21] =	ssyncset.done $0x0  }
0xcd: {  	p0 =	sne.s32 s26, s11;
	s0 =	sor.u32 $0x1C03, s30;
	[sflag:s21] =	ssyncadd.s32 $0xFFFFC000  }
.Ltmp3:
0xce: {  	s31 =	sshrl.u32 s5, $0x3;
	[bflag:$0x0] =	sbarrier.arrive $0xFFFF;
	(pc) =	sbr.rel @p0 .LBB2_1-.Ltmp3, $4  }
0xcf: {  	[hbm:s10], [sflag:s0] =	dma.local [spmem:s31], $0x2800  }
0xd0: {  	_ =	swait.ge [sflag:s17], $0x2800  }
0xd1: {  	[sflag:s17] =	ssyncset.done $0x0  }
0xd2: {  	[sflag:s17] =	ssyncadd.s32 $0xFFFFD800  }
0xd3: {  	_ =	sfence.sel $0x180000  }
0xd4: {  	[bflag:$0x0] =	sbarrier.arrive $0xFFFF  }
0xd5: {  	_ =	strace $0x9000004A  }
0xd6: {  	[bflag:$0x2] =	sbarrier.arrive $0xFFFF  }
0xd7: {  	p0 =	sne.s32 s1, $0x0;
	s0 =	rddreg [dreg:$0x3]  }
0xd8: {  	s0 =	sadd.s32 @!p0 $0x100000, s0  }
0xd9: {  	[sflag:s0] =	ssyncadd.tile.s32 @!p0 $0x1;
	_ =	shalt  }
.Lfunc_end2:
_tile_overlayer_lowered:
.L_overlay_start_2:
0xda: {  	(tag) =	ssettag $0x2  }
0xdb: {  	s0 =	rddreg [dreg:$0x0];
	s2 =	stileid.u32  }
0xdc: {  	s1 =	rddreg [dreg:$0x1];
	p0 =	sne.s32 s2, $0x0  }
0xdd: {  	s3 =	rddreg [dreg:$0x2];
	[bflag:$0x3] =	sbarrier.arrive $0xFFFF;
	s2 =	simm.s32 @!p0 $0x1C03  }
0xde: {  	[timem:s3], [sflag:s2] =	dma.local @!p0 [hbm:s0], s1  }
0xdf: {  	s0 =	simm.s32 @!p0 $0x3  }
0xe0: {  	_ =	swait.ge @!p0 [sflag:s0], s1  }
0xe1: {  	s1 =	ssub.s32 @!p0 $0x0, s1;
	[sflag:s0] =	ssyncset.done @!p0 $0x0  }
0xe2: {  	[sflag:s0] =	ssyncadd.s32 @!p0 s1  }
0xe3: {  	[bflag:$0x3] =	sbarrier.arrive $0xFFFF  }
0xe4: {  	_ =	shalt  }

// kernel: kernel.14.cloned.1.call-start
scs
__scs_entry_jumppad:
0x0: {  	(pc) =	sbr.rel $0x88, $3  }
0x1: {  	(tag) =	ssettag $0x0;
	lr =	simm.s32 $0x1  }
0x2: {  	[smem:$0x3F9B] =	sst lr;
	_ =	strace $0xD0000000  }
0x3: {  	_ = 	snop  }
0x4: {  	_ = 	snop  }
0x5: {  	_ = 	snop  }
0x6: {  	_ = 	snop  }
0x7: {  	_ = 	snop  }
__scs_overlays_trampoline_lowered:
0x8: {  	[smem:$0x3FAA] =	sst s0  }
0x9: {  	[smem:$0x3FAB] =	sst s1  }
0xa: {  	[smem:$0x3FAC] =	sst s2  }
0xb: {  	[smem:$0x3FAD] =	sst s3  }
0xc: {  	[smem:$0x3FAE] =	sst s4  }
0xd: {  	[smem:$0x3FAF] =	sst s5  }
0xe: {  	[smem:$0x3FB0] =	sst s6  }
0xf: {  	[smem:$0x3FB1] =	sst s7  }
0x10: {  	[smem:$0x3FB2] =	sst s8  }
0x11: {  	[smem:$0x3FB3] =	sst s9;
	s0 =	simm.s32 @!p0 $0x0  }
0x12: {  	s1 =	sld [smem:$0x3F99];
	s0 =	simm.s32 @p0 $0x1  }
0x13: {  	[smem:$0x3FB4] =	sst s0;
	s0 =	simm.s32 @!p1 $0x0  }
0x14: {  	s2 =	sld [smem:$0x3F98];
	s0 =	simm.s32 @p1 $0x1  }
0x15: {  	[smem:$0x3FB5] =	sst s0;
	s0 =	simm.s32 @!p2 $0x0  }
0x16: {  	s3 =	sld [smem:$0x3FDB];
	s0 =	simm.s32 @p2 $0x1  }
0x17: {  	s4 =	simm.s32 $0x1BF5;
	[smem:$0x3FB7] =	sst s0  }
0x18: {  	s0 =	sld [smem:$0x3F9A];
	_ =	swait.ge [sflag:s4], $0x0  }
0x19: {  	s7 =	sld [smem:$0x3F9B]  }
0x1a: {  	s8 =	sadd.s32 $0xFFFFE003, lr  }
0x1b: {  	s9 =	sadd.s32 $0xFFFFFEF7, lr;
	s5 =	simm.s32 $0xFFFFFFFF;
	p2 =	slt.u32 s8, $0xFFFFF086  }
0x1c: {  	p1 =	slt.u32 s9, $0xF7A;
	s5 =	simm.s32 @!p2 $0x0  }
0x1d: {  	s5 =	simm.s32 @p1 $0x1;
	p0 =	seq.s32 s7, s2  }
0x1e: {  	s7 =	smul.u32 @!p0 $0xF7A, s2;
	p2 =	seq.s32 @!p0 s5, $0x0  }
0x1f: {  	s9 =	smul.u32 $0xF7A, s1;
	s8 =	simm.s32 @!p0 $0x1BF5;
	p2 =	por !p2, p0  }
0x20: {  	[sflag:s8] =	ssyncset.s32 @!p0 $0xFFFFF086;
	s6 =	sadd.s32 @!p0 s3, s7;
	s7 =	simm.s32 @!p0 $0x108  }
0x21: {  	s3 =	sadd.s32 s3, s9;
	s6 =	sadd.s32 @!p0 $0x88, s6;
	s7 =	simm.s32 @p2 $0x1082  }
0x22: {  	[simem:s7], [sflag:s8] =	dma.local @!p0 [hbm:s6], $0xF7A  }
0x23: {  	s9 =	sor.u32 $0xD0000000, s2;
	s6 =	simm.s32 $0x108;
	_ =	swait.ge @!p0 [sflag:s8], $0x0  }
0x24: {  	s3 =	sadd.s32 $0x88, s3;
	s6 =	simm.s32 @!p1 $0x1082;
	[sflag:s4] =	ssyncset.s32 $0xFFFFF086  }
0x25: {  	[simem:s6], [sflag:s4] =	dma.local [hbm:s3], $0xF7A  }
0x26: {  	[smem:$0x3F9B] =	sst s1;
	(tag) =	ssettag s2;
	_ =	strace s9  }
0x27: {  	s1 =	sld [smem:$0x3FAB]  }
0x28: {  	s2 =	sld [smem:$0x3FAC]  }
0x29: {  	s4 =	sld [smem:$0x3FAE]  }
0x2a: {  	p0 =	seq.s32 s5, $0x0;
	s5 =	sld [smem:$0x3FAF]  }
0x2b: {  	s6 =	sld [smem:$0x3FB0]  }
0x2c: {  	s7 =	sld [smem:$0x3FB1]  }
0x2d: {  	s3 =	simm.s32 $0x108;
	s8 =	sld [smem:$0x3FB2]  }
0x2e: {  	s3 =	simm.s32 @!p0 $0x1082;
	s9 =	sld [smem:$0x3FB3]  }
0x2f: {  	lr =	sadd.s32 s0, s3;
	s0 =	sld [smem:$0x3FAA]  }
0x30: {  	s3 =	sld [smem:$0x3FAD]  }
0x31: {  	[smem:$0x3FB6] =	sst s10  }
0x32: {  	s10 =	sld [smem:$0x3FB4];
	_ =	sdelay $0x3  }
0x33: {  	p0 =	seq.s32 s10, $0x1;
	s10 =	sld [smem:$0x3FB6];
	_ =	sdelay $0x3  }
0x34: {  	[smem:$0x3FB6] =	sst s10  }
0x35: {  	s10 =	sld [smem:$0x3FB5];
	_ =	sdelay $0x3  }
0x36: {  	p1 =	seq.s32 s10, $0x1;
	s10 =	sld [smem:$0x3FB6];
	_ =	sdelay $0x3  }
0x37: {  	[smem:$0x3FB6] =	sst s10  }
0x38: {  	s10 =	sld [smem:$0x3FB7]  }
0x39: {  	_ = 	snop;
	(pc) =	sbr.ind lr, $3  }
0x3a: {  	_ = 	snop  }
0x3b: {  	_ = 	snop  }
0x3c: {  	p2 =	seq.s32 s10, $0x1;
	s10 =	sld [smem:$0x3FB6]  }
0x3d: {  	_ =	shalt  }
0x3e: {  	_ =	shalt  }
0x3f: {  	_ =	shalt  }
0x40: {  	_ =	shalt  }
0x41: {  	_ =	shalt  }
0x42: {  	_ =	shalt  }
0x43: {  	_ =	shalt  }
0x44: {  	_ =	shalt  }
0x45: {  	_ =	shalt  }
0x46: {  	_ =	shalt  }
0x47: {  	_ =	shalt  }
0x48: {  	_ =	shalt  }
0x49: {  	_ =	shalt  }
0x4a: {  	_ =	shalt  }
0x4b: {  	_ =	shalt  }
0x4c: {  	_ =	shalt  }
0x4d: {  	_ =	shalt  }
0x4e: {  	_ =	shalt  }
0x4f: {  	_ =	shalt  }
0x50: {  	_ =	shalt  }
0x51: {  	_ =	shalt  }
0x52: {  	_ =	shalt  }
0x53: {  	_ =	shalt  }
0x54: {  	_ =	shalt  }
0x55: {  	_ =	shalt  }
0x56: {  	_ =	shalt  }
0x57: {  	_ =	shalt  }
0x58: {  	_ =	shalt  }
0x59: {  	_ =	shalt  }
0x5a: {  	_ =	shalt  }
0x5b: {  	_ =	shalt  }
0x5c: {  	_ =	shalt  }
0x5d: {  	_ =	shalt  }
0x5e: {  	_ =	shalt  }
0x5f: {  	_ =	shalt  }
0x60: {  	_ =	shalt  }
0x61: {  	_ =	shalt  }
0x62: {  	_ =	shalt  }
0x63: {  	_ =	shalt  }
0x64: {  	_ =	shalt  }
0x65: {  	_ =	shalt  }
0x66: {  	_ =	shalt  }
0x67: {  	_ =	shalt  }
0x68: {  	_ =	shalt  }
0x69: {  	_ =	shalt  }
0x6a: {  	_ =	shalt  }
0x6b: {  	_ =	shalt  }
0x6c: {  	_ =	shalt  }
0x6d: {  	_ =	shalt  }
0x6e: {  	_ =	shalt  }
0x6f: {  	_ =	shalt  }
0x70: {  	_ =	shalt  }
0x71: {  	_ =	shalt  }
0x72: {  	_ =	shalt  }
0x73: {  	_ =	shalt  }
0x74: {  	_ =	shalt  }
0x75: {  	_ =	shalt  }
0x76: {  	_ =	shalt  }
0x77: {  	_ =	shalt  }
0x78: {  	_ =	shalt  }
0x79: {  	_ =	shalt  }
0x7a: {  	_ =	shalt  }
0x7b: {  	_ =	shalt  }
0x7c: {  	_ =	shalt  }
0x7d: {  	_ =	shalt  }
0x7e: {  	_ =	shalt  }
0x7f: {  	_ =	shalt  }
0x80: {  	_ =	shalt  }
0x81: {  	_ =	shalt  }
0x82: {  	_ =	shalt  }
0x83: {  	_ =	shalt  }
0x84: {  	_ =	shalt  }
0x85: {  	_ =	shalt  }
0x86: {  	_ =	shalt  }
0x87: {  	_ =	shalt  }
.Lfunc_end0:
.L_simem_size_0:
called_computation.2_lowered:
.L_overlay_start_0:
0x88: {  	s2 =	sld [smem:$0x3FD9]  }
0x89: {  	s3 =	sld [smem:$0x3FFE];
	_ =	sdelay $0x1  }
0x8a: {  	s1 =	srdreg.scid  }
0x8b: {  	s0 =	sand.u32 $0x1, s1  }
0x8c: {  	s17 =	sshll.u32 s0, $0xA;
	s2 =	sadd.s32 s3, s2  }
0x8d: {  	s2 =	sadd.s32 s2, s17  }
0x8e: {  	[smem:$0x3FC2] =	sst s2  }
0x8f: {  	_ = 	snop  }
0x90: {  	s2 =	sld [smem:$0x3FD0];
	(tm) =	ssettm $0x1  }
0x91: {  	s18 =	sld [smem:$0x3FFB];
	_ =	sdelay $0x3  }
0x92: {  	_ =	strace s18  }
0x93: {  	s3 =	sld [smem:$0x3FFC];
	_ =	sdelay $0x3  }
0x94: {  	_ =	strace s3  }
0x95: {  	s3 =	sld [smem:$0x3FFD];
	_ =	sdelay $0x3  }
0x96: {  	_ =	strace s3  }
0x97: {  	_ =	strace $0x8FFFFFFF  }
0x98: {  	s19 =	sld [smem:$0x3FDB];
	_ =	sdelay $0x1  }
0x99: {  	s4 =	simm.s32 $_scs_section_size  }
0x9a: {  	s5 =	simm.s32 $_size__tile_overlayer_lowered;
	s6 =	simm.s32 $_tile_overlayer_lowered  }
0x9b: {  	s22 =	simm.s32 $0x1BFF;
	s21 =	sshll.u32 s6, $0x1;
	s3 =	sadd.s32 s4, s19  }
0x9c: {  	s7 =	simm.s32 $0x0;
	s20 =	sshll.u32 s5, $0x1;
	s5 =	sadd.s32 s21, s3  }
0x9d: {  	[timem:s7], [sflag:s22] =	dma.local [hbm:s5], s20  }
0x9e: {  	_ =	swait.ge [sflag:s22], s20  }
0x9f: {  	s4 =	ssub.s32 $0x0, s20;
	[sflag:s22] =	ssyncset.done $0x0  }
0xa0: {  	[sflag:s22] =	ssyncadd.s32 s4;
	_ =	sdelay $0x1  }
0xa1: {  	s23 =	simm.s32 $0x1B8B  }
0xa2: {  	_ =	swait.ge [sflag:s23], $0x1  }
0xa3: {  	[sflag:s23] =	ssyncset.done $0x0  }
0xa4: {  	s25 =	simm.s32 $0x1B8E;
	s24 =	sld [smem:$0x3FFE];
	[sflag:s23] =	ssyncadd.s32 $0xFFFFFFFF  }
0xa5: {  	s26 =	simm.s32 $execute0_lowered;
	[smem:$0x3FD2] =	sst s25  }
0xa6: {  	s5 =	sshll.u32 s26, $0x1;
	_ =	strace $0x8000004C;
	[dreg:$0x1] =	wrdreg $0xFFFFFFFF  }
0xa7: {  	s28 =	simm.s32 $_size_execute0_lowered;
	s3 =	sadd.s32 s3, s5;
	[dreg:$0x0] =	wrdreg $0x0  }
0xa8: {  	s5 =	sshll.u32 s28, $0x1;
	[dreg:$0x2] =	wrdreg s3  }
0xa9: {  	[dreg:$0x3] =	wrdreg s5  }
0xaa: {  	[dreg:$0x4] =	wrdreg $0xC0  }
0xab: {  	_ =	task [dreg:s7], $0x5FFFF  }
0xac: {  	[dreg:$0x1] =	wrdreg $0xFFFFFFFF  }
0xad: {  	[dreg:$0x0] =	wrdreg $0x60  }
0xae: {  	[dreg:$0x2] =	wrdreg s24  }
0xaf: {  	[dreg:$0x3] =	wrdreg s2  }
0xb0: {  	[dreg:$0x4] =	wrdreg $0xA8000  }
0xb1: {  	[dreg:$0x5] =	wrdreg $0x9  }
0xb2: {  	_ =	task.clear_ibuf [dreg:s7], $0x6FFFF;
	_ =	strace $0x9000004C  }
0xb3: {  	s29 =	simm.s32 $0x9;
	_ =	strace $0x8000004E  }
0xb4: {  	_ =	swait.ge [sflag:s29], $0x1  }
0xb5: {  	[sflag:s29] =	ssyncadd.s32 $0xFFFFFFFF  }
0xb6: {  	_ =	strace $0x9000004E  }
0xb7: {  	_ =	sfence  }
0xb8: {  	s30 =	sld [smem:$0x0];
	_ =	sdelay $0x2  }
0xb9: {  	s31 =	sshll.u32 s1, $0xD;
	s1 =	sshrl.u32 s1, $0x2  }
0xba: {  	s3 =	sand.u32 $0x4000, s31;
	s1 =	sadd.s32 s1, s30  }
0xbb: {  	s0 =	sor.u32 s3, s0;
	s1 =	sshll.u32 s1, $0x11  }
0xbc: {  	s0 =	sor.u32 s1, s0  }
0xbd: {  	s0 =	sadd.s32 $0x8F2B, s0  }
0xbe: {  	[sflag:s0] =	ssyncadd.remote.s32 $0x1  }
0xbf: {  	_ =	sfence.sel $0xFFFF  }
0xc0: {  	[dreg:$0x0] =	wrdreg $0xFFFFFFFF;
	(pc) =	sbr.abs _section_cstart, $3  }
0xc1: {  	[dreg:$0x1] =	wrdreg $0xFFFFFFFF  }
0xc2: {  	_ =	task.clear_ibuf [dreg:s7], $0x2FFFF;
	_ =	strace $0x9FFFFFFF  }
0xc3: {  	(tm) =	ssettm $0x7FFFFFFF  }
tec
execute0_lowered:
.L_overlay_start_1:
0x0: {  	(tag) =	ssettag $0x1  }
0x1: {  	s5 =	rddreg [dreg:$0x0]  }
0x2: {  	s15 =	rddreg [dreg:$0x1];
	s0 =	srdreg.scid  }
0x3: {  	s2 =	rddreg [dreg:$0x2];
	s1 =	stileid.u32;
	s3 =	simm.s32 $0x0  }
0x4: {  	s17 =	simm.s32 $0x3;
	s18 =	simm.s32 $0x1400;
	s19 =	simm.s32 $0x80  }
0x5: {  	s20 =	simm.s32 $0x6800;
	s21 =	simm.s32 $0x1;
	s22 =	simm.s32 $0x2  }
0x6: {  	s23 =	simm.s32 $0x1380;
	s24 =	simm.s32 $0x2700;
	s25 =	simm.s32 $0x2780  }
0x7: {  	s26 =	simm.s32 $0x0;
	s6 =	sand.u32 $0x1, s0;
	s7 =	smul.u32 $0x14000, s1  }
0x8: {  	[smem:$0x7FF] =	sst s3;
	s8 =	smul.u32 $0x50000, s1;
	s14 =	sadd.s32 $0x2000, s5  }
0x9: {  	s28 =	sshll.u32 s1, $0x1;
	s4 =	smul.u32 $0x140000, s6;
	_ =	strace $0x8000004D  }
0xa: {  	s29 =	ssub.s32 $0x2, s6;
	s6 =	sor.u32 s6, s28;
	s30 =	sshrl.u32 s8, $0x2  }
0xb: {  	s31 =	sshrl.u32 s29, $0x1;
	s11 =	smul.u32 $0x2800, s6;
	s7 =	sadd.s32 s7, s4  }
0xc: {  	s4 =	sadd.s32 $0xC000, s5;
	s12 =	ssub.s32 s29, s31;
	s7 =	sshrl.u32 s7, $0x3  }
0xd: {  	s13 =	sshrl.u32 s11, $0x3;
	s11 =	smax.u32 s12, $0x1;
	s10 =	sadd.s32 s7, s5  }
0xe: {  	s5 =	sadd.s32 s30, s2;
	s16 =	sadd.s32 $0x280, s13;
	s12 =	sadd.s32 s14, s13  }
0xf: {  	s13 =	sadd.s32 s15, s13;
	s6 =	sadd.s32 $0x4000, s5;
	s7 =	sadd.s32 $0x8000, s5  }
0x10: {  	s8 =	sadd.s32 $0xC000, s5;
	s9 =	sadd.s32 $0x10000, s5;
	s10 =	sadd.s32 $0x34000, s10  }
0x11: {  	v0 =	vimm.f32 $0.0e+00;
	s14 =	sadd.s32 s14, s16;
	s15 =	sadd.s32 s15, s16;
	s16 =	simm.s32 $0x2800  }
.LBB2_1:
0x12: {  	s28 =	sand.u32 $0xFE00, s3  }
0x13: {  	s29 =	sand.u32 $0x70, s3;
	s30 =	sshrl.u32 s28, $0x2  }
0x14: {  	s28 =	simm.s32 $0x40;
	s30 =	sor.u32 s29, s30;
	s29 =	simm.s32 $0x0  }
.LBB2_2:
0x15: {  	p0 =	sne.s32 s28, $0xFFC0  }
0x16: {  	[tilespmem:s30+$0x2800] =	vst v0;
	s29 =	sadd.s32 $0x10, s29;
	s30 =	smov.u32 s28;
	s28 =	sadd.s32 $0x40, s28  }
.Ltmp0:
0x17: {  	(pc) =	sbr.rel @p0 .LBB2_2-.Ltmp0, $4  }
0x18: {  	_ = 	snop  }
0x19: {  	s30 =	sand.u32 $0xFE00, s30  }
0x1a: {  	s31 =	sand.u32 $0x70, s29;
	s30 =	sshrl.u32 s30, $0x2  }
0x1b: {  	s30 =	sor.u32 s31, s30  }
0x1c: {  	[tilespmem:s30+$0x2800] =	vst v0  }
0x1d: {  	[spmem:s5] =	stream.linear.scatter [tilespmem:s16], [sflag:$0x3], $0x4000, $0x38;
	[tilespmem:$0x1E800] =	vst v63  }
0x1e: {  	_ =	swait.ge [sflag:s17], $0x4000  }
0x1f: {  	[sflag:s17] =	ssyncset.done $0x0  }
0x20: {  	[sflag:s17] =	ssyncadd.s32 $0xFFFFC000  }
0x21: {  	[spmem:s6] =	stream.linear.scatter [tilespmem:s16], [sflag:$0x3], $0x4000, $0x38;
	[tilespmem:$0x1E800] =	vst v63  }
0x22: {  	_ =	swait.ge [sflag:s17], $0x4000  }
0x23: {  	[sflag:s17] =	ssyncset.done $0x0  }
0x24: {  	[sflag:s17] =	ssyncadd.s32 $0xFFFFC000  }
0x25: {  	[spmem:s7] =	stream.linear.scatter [tilespmem:s16], [sflag:$0x3], $0x4000, $0x38;
	[tilespmem:$0x1E800] =	vst v63  }
0x26: {  	_ =	swait.ge [sflag:s17], $0x4000  }
0x27: {  	[sflag:s17] =	ssyncset.done $0x0  }
0x28: {  	[sflag:s17] =	ssyncadd.s32 $0xFFFFC000  }
0x29: {  	[spmem:s8] =	stream.linear.scatter [tilespmem:s16], [sflag:$0x3], $0x4000, $0x38;
	[tilespmem:$0x1E800] =	vst v63  }
0x2a: {  	_ =	swait.ge [sflag:s17], $0x4000  }
0x2b: {  	[sflag:s17] =	ssyncset.done $0x0  }
0x2c: {  	[sflag:s17] =	ssyncadd.s32 $0xFFFFC000  }
0x2d: {  	[spmem:s9] =	stream.linear.scatter [tilespmem:s16], [sflag:$0x3], $0x4000, $0x38;
	[tilespmem:$0x1E800] =	vst v63  }
0x2e: {  	_ =	swait.ge [sflag:s17], $0x4000  }
0x2f: {  	[sflag:s17] =	ssyncset.done $0x0  }
0x30: {  	[sflag:s17] =	ssyncadd.s32 $0xFFFFC000  }
0x31: {  	s28 =	simm.s32 $0x0;
	[bflag:$0x0] =	sbarrier.arrive $0xFFFF  }
0x32: {  	[tilespmem:s28], [sflag:$0x3] =	stream.linear.gather [hbm4b:s12+s28], $0x1400, $0x38;
	[tilespmem:$0x1E800] =	vst v63  }
0x33: {  	_ =	swait.ge [sflag:s17], $0x1400  }
0x34: {  	[sflag:s17] =	ssyncset.done $0x0  }
0x35: {  	[sflag:s17] =	ssyncadd.s32 $0xFFFFEC00  }
0x36: {  	[tilespmem:s18], [sflag:$0x3] =	stream.linear.gather [hbm4b:s13+s28], $0x1400, $0x38;
	[tilespmem:$0x1E800] =	vst v63  }
0x37: {  	_ =	swait.ge [sflag:s17], $0x1400  }
0x38: {  	[sflag:s17] =	ssyncset.done $0x0  }
0x39: {  	[sflag:s17] =	ssyncadd.s32 $0xFFFFEC00  }
0x3a: {  	[tilespmem:s16], [sflag:$0x1] =	stream.indirect.gather [hbm4b:s4+s19], $0x80, s28, s19, $0xb8;
	[tilespmem:$0x1E800] =	vst v63  }
0x3b: {  	s28 =	simm.s32 $0x80  }
0x3c: {  	[tilespmem:s20], [sflag:$0x2] =	stream.indirect.gather [hbm4b:s4+s19], $0x80, s28, s19, $0xb8;
	[tilespmem:$0x1E800] =	vst v63  }
0x3d: {  	_ =	swait.ge [sflag:s21], $0x4000  }
0x3e: {  	[sflag:s21] =	ssyncset.done $0x0  }
0x3f: {  	s28 =	simm.s32 $0x1400;
	[sflag:s21] =	ssyncadd.s32 $0xFFFFC000  }
0x40: {  	[spmem:s2] =	stream.indirect.scatter.add.f32 [tilespmem:s16], [sflag:$0x3], $0x80, s28, s19, $0xb8;
	[tilespmem:$0x1E800] =	vst v63  }
0x41: {  	_ =	swait.ge [sflag:s17], $0x4000  }
0x42: {  	[sflag:s17] =	ssyncset.done $0x0  }
0x43: {  	s28 =	simm.s32 $0x100;
	[sflag:s17] =	ssyncadd.s32 $0xFFFFC000  }
0x44: {  	[tilespmem:s16], [sflag:$0x1] =	stream.indirect.gather [hbm4b:s4+s19], $0x80, s28, s19, $0xb8;
	[tilespmem:$0x1E800] =	vst v63  }
0x45: {  	_ =	swait.ge [sflag:s22], $0x4000  }
0x46: {  	[sflag:s22] =	ssyncset.done $0x0  }
0x47: {  	s28 =	simm.s32 $0x1480;
	[sflag:s22] =	ssyncadd.s32 $0xFFFFC000  }
0x48: {  	[spmem:s2] =	stream.indirect.scatter.add.f32 [tilespmem:s20], [sflag:$0x3], $0x80, s28, s19, $0xb8;
	[tilespmem:$0x1E800] =	vst v63  }
0x49: {  	_ =	swait.ge [sflag:s17], $0x4000  }
0x4a: {  	s29 =	simm.s32 $0x800;
	s28 =	simm.s32 $0x100;
	[sflag:s17] =	ssyncset.done $0x0  }
.LBB2_4:
0x4b: {  	s30 =	sadd.s32 $0x80, s28  }
0x4c: {  	[sflag:s17] =	ssyncadd.s32 $0xFFFFC000;
	s31 =	smov.u32 s29;
	s0 =	sadd.s32 $0x400, s29  }
0x4d: {  	[tilespmem:s20], [sflag:$0x2] =	stream.indirect.gather [hbm4b:s4+s19], $0x80, s30, s19, $0xb8;
	[tilespmem:$0x1E800] =	vst v63  }
0x4e: {  	p0 =	sne.s32 s29, $0x4800;
	_ =	swait.ge [sflag:s21], $0x4000  }
0x4f: {  	[sflag:s21] =	ssyncset.done $0x0  }
0x50: {  	s29 =	sadd.s32 $0x1400, s28;
	[sflag:s21] =	ssyncadd.s32 $0xFFFFC000  }
0x51: {  	[spmem:s2] =	stream.indirect.scatter.add.f32 [tilespmem:s16], [sflag:$0x3], $0x80, s29, s19, $0xb8;
	[tilespmem:$0x1E800] =	vst v63  }
0x52: {  	_ =	swait.ge [sflag:s17], $0x4000  }
0x53: {  	[sflag:s17] =	ssyncset.done $0x0  }
0x54: {  	s29 =	sadd.s32 $0x100, s28;
	[sflag:s17] =	ssyncadd.s32 $0xFFFFC000  }
0x55: {  	[tilespmem:s16], [sflag:$0x1] =	stream.indirect.gather [hbm4b:s4+s19], $0x80, s29, s19, $0xb8;
	[tilespmem:$0x1E800] =	vst v63  }
0x56: {  	_ =	swait.ge [sflag:s22], $0x4000  }
.Ltmp1:
0x57: {  	[sflag:s22] =	ssyncset.done $0x0;
	(pc) =	sbr.rel @p0 .LBB2_4-.Ltmp1, $4  }
0x58: {  	s28 =	sadd.s32 $0x1480, s28;
	[sflag:s22] =	ssyncadd.s32 $0xFFFFC000  }
0x59: {  	[spmem:s2] =	stream.indirect.scatter.add.f32 [tilespmem:s20], [sflag:$0x3], $0x80, s28, s19, $0xb8;
	[tilespmem:$0x1E800] =	vst v63  }
0x5a: {  	_ =	swait.ge [sflag:s17], $0x4000  }
0x5b: {  	s29 =	smov.u32 s0;
	s28 =	sshra.s32 s31, $0x2;
	[sflag:s17] =	ssyncset.done $0x0  }
0x5c: {  	s0 =	sadd.s32 $0x80, s28;
	[sflag:s17] =	ssyncadd.s32 $0xFFFFC000  }
0x5d: {  	[tilespmem:s20], [sflag:$0x2] =	stream.indirect.gather [hbm4b:s4+s19], $0x80, s0, s19, $0xb8;
	[tilespmem:$0x1E800] =	vst v63  }
0x5e: {  	_ =	swait.ge [sflag:s21], $0x4000  }
0x5f: {  	[sflag:s21] =	ssyncset.done $0x0  }
0x60: {  	s30 =	sadd.s32 $0x1400, s28;
	[sflag:s21] =	ssyncadd.s32 $0xFFFFC000  }
0x61: {  	[spmem:s2] =	stream.indirect.scatter.add.f32 [tilespmem:s16], [sflag:$0x3], $0x80, s30, s19, $0xb8;
	[tilespmem:$0x1E800] =	vst v63  }
0x62: {  	_ =	swait.ge [sflag:s17], $0x4000  }
0x63: {  	[sflag:s17] =	ssyncset.done $0x0  }
0x64: {  	s31 =	sadd.s32 $0x100, s28;
	[sflag:s17] =	ssyncadd.s32 $0xFFFFC000  }
0x65: {  	[tilespmem:s16], [sflag:$0x1] =	stream.indirect.gather [hbm4b:s4+s19], $0x80, s31, s19, $0xb8;
	[tilespmem:$0x1E800] =	vst v63  }
0x66: {  	_ =	swait.ge [sflag:s22], $0x4000  }
0x67: {  	[sflag:s22] =	ssyncset.done $0x0  }
0x68: {  	s30 =	sadd.s32 $0x1480, s28;
	[sflag:s22] =	ssyncadd.s32 $0xFFFFC000  }
0x69: {  	[spmem:s2] =	stream.indirect.scatter.add.f32 [tilespmem:s20], [sflag:$0x3], $0x80, s30, s19, $0xb8;
	[tilespmem:$0x1E800] =	vst v63  }
0x6a: {  	_ =	swait.ge [sflag:s17], $0x4000  }
0x6b: {  	[sflag:s17] =	ssyncset.done $0x0  }
0x6c: {  	[sflag:s17] =	ssyncadd.s32 $0xFFFFC000  }
0x6d: {  	[tilespmem:s20], [sflag:$0x2] =	stream.indirect.gather [hbm4b:s4+s19], $0x80, s23, s19, $0xb8;
	[tilespmem:$0x1E800] =	vst v63  }
0x6e: {  	_ =	swait.ge [sflag:s21], $0x4000  }
0x6f: {  	[sflag:s21] =	ssyncset.done $0x0  }
0x70: {  	[sflag:s21] =	ssyncadd.s32 $0xFFFFC000  }
0x71: {  	[spmem:s2] =	stream.indirect.scatter.add.f32 [tilespmem:s16], [sflag:$0x3], $0x80, s24, s19, $0xb8;
	[tilespmem:$0x1E800] =	vst v63  }
0x72: {  	_ =	swait.ge [sflag:s17], $0x4000  }
0x73: {  	[sflag:s17] =	ssyncset.done $0x0  }
0x74: {  	s31 =	simm.s32 $0x0;
	[sflag:s17] =	ssyncadd.s32 $0xFFFFC000  }
0x75: {  	[tilespmem:s16], [sflag:$0x1] =	stream.indirect.gather [hbm4b:s4+s19], $0x80, s31, s19, $0xb8;
	[tilespmem:$0x1E800] =	vst v63  }
0x76: {  	_ =	swait.ge [sflag:s22], $0x4000  }
0x77: {  	[sflag:s22] =	ssyncset.done $0x0  }
0x78: {  	[sflag:s22] =	ssyncadd.s32 $0xFFFFC000  }
0x79: {  	[spmem:s2] =	stream.indirect.scatter.add.f32 [tilespmem:s20], [sflag:$0x3], $0x80, s25, s19, $0xb8;
	[tilespmem:$0x1E800] =	vst v63  }
0x7a: {  	_ =	swait.ge [sflag:s17], $0x4000  }
0x7b: {  	[sflag:s17] =	ssyncset.done $0x0  }
0x7c: {  	[sflag:s17] =	ssyncadd.s32 $0xFFFFC000  }
0x7d: {  	_ =	swait.ge [sflag:s21], $0x4000  }
0x7e: {  	[sflag:s21] =	ssyncset.done $0x0  }
0x7f: {  	[sflag:s21] =	ssyncadd.s32 $0xFFFFC000  }
0x80: {  	[tilespmem:s31], [sflag:$0x3] =	stream.linear.gather [hbm4b:s14+s31], $0x1400, $0x38;
	[tilespmem:$0x1E800] =	vst v63  }
0x81: {  	_ =	swait.ge [sflag:s17], $0x1400  }
0x82: {  	[sflag:s17] =	ssyncset.done $0x0  }
0x83: {  	[sflag:s17] =	ssyncadd.s32 $0xFFFFEC00  }
0x84: {  	[tilespmem:s18], [sflag:$0x3] =	stream.linear.gather [hbm4b:s15+s31], $0x1400, $0x38;
	[tilespmem:$0x1E800] =	vst v63  }
0x85: {  	_ =	swait.ge [sflag:s17], $0x1400  }
0x86: {  	[sflag:s17] =	ssyncset.done $0x0  }
0x87: {  	[sflag:s17] =	ssyncadd.s32 $0xFFFFEC00  }
0x88: {  	[tilespmem:s16], [sflag:$0x1] =	stream.indirect.gather [hbm4b:s4+s19], $0x80, s31, s19, $0xb8;
	[tilespmem:$0x1E800] =	vst v63  }
0x89: {  	s30 =	simm.s32 $0x80  }
0x8a: {  	[tilespmem:s20], [sflag:$0x2] =	stream.indirect.gather [hbm4b:s4+s19], $0x80, s30, s19, $0xb8;
	[tilespmem:$0x1E800] =	vst v63  }
0x8b: {  	_ =	swait.ge [sflag:s21], $0x4000  }
0x8c: {  	[sflag:s21] =	ssyncset.done $0x0  }
0x8d: {  	s31 =	simm.s32 $0x1400;
	[sflag:s21] =	ssyncadd.s32 $0xFFFFC000  }
0x8e: {  	[spmem:s2] =	stream.indirect.scatter.add.f32 [tilespmem:s16], [sflag:$0x3], $0x80, s31, s19, $0xb8;
	[tilespmem:$0x1E800] =	vst v63  }
0x8f: {  	_ =	swait.ge [sflag:s17], $0x4000  }
0x90: {  	[sflag:s17] =	ssyncset.done $0x0  }
0x91: {  	s30 =	simm.s32 $0x100;
	[sflag:s17] =	ssyncadd.s32 $0xFFFFC000  }
0x92: {  	[tilespmem:s16], [sflag:$0x1] =	stream.indirect.gather [hbm4b:s4+s19], $0x80, s30, s19, $0xb8;
	[tilespmem:$0x1E800] =	vst v63  }
0x93: {  	_ =	swait.ge [sflag:s22], $0x4000  }
0x94: {  	[sflag:s22] =	ssyncset.done $0x0  }
0x95: {  	s31 =	simm.s32 $0x1480;
	[sflag:s22] =	ssyncadd.s32 $0xFFFFC000  }
0x96: {  	[spmem:s2] =	stream.indirect.scatter.add.f32 [tilespmem:s20], [sflag:$0x3], $0x80, s31, s19, $0xb8;
	[tilespmem:$0x1E800] =	vst v63  }
0x97: {  	_ =	swait.ge [sflag:s17], $0x4000  }
0x98: {  	s29 =	simm.s32 $0x800;
	s28 =	simm.s32 $0x100;
	[sflag:s17] =	ssyncset.done $0x0  }
.LBB2_6:
0x99: {  	s0 =	sadd.s32 $0x80, s28  }
0x9a: {  	[sflag:s17] =	ssyncadd.s32 $0xFFFFC000;
	s30 =	smov.u32 s29;
	s31 =	sadd.s32 $0x400, s29  }
0x9b: {  	[tilespmem:s20], [sflag:$0x2] =	stream.indirect.gather [hbm4b:s4+s19], $0x80, s0, s19, $0xb8;
	[tilespmem:$0x1E800] =	vst v63  }
0x9c: {  	p0 =	sne.s32 s29, $0x4800;
	_ =	swait.ge [sflag:s21], $0x4000  }
0x9d: {  	[sflag:s21] =	ssyncset.done $0x0  }
0x9e: {  	s0 =	sadd.s32 $0x1400, s28;
	[sflag:s21] =	ssyncadd.s32 $0xFFFFC000  }
0x9f: {  	[spmem:s2] =	stream.indirect.scatter.add.f32 [tilespmem:s16], [sflag:$0x3], $0x80, s0, s19, $0xb8;
	[tilespmem:$0x1E800] =	vst v63  }
0xa0: {  	_ =	swait.ge [sflag:s17], $0x4000  }
0xa1: {  	[sflag:s17] =	ssyncset.done $0x0  }
0xa2: {  	s0 =	sadd.s32 $0x100, s28;
	[sflag:s17] =	ssyncadd.s32 $0xFFFFC000  }
0xa3: {  	[tilespmem:s16], [sflag:$0x1] =	stream.indirect.gather [hbm4b:s4+s19], $0x80, s0, s19, $0xb8;
	[tilespmem:$0x1E800] =	vst v63  }
0xa4: {  	_ =	swait.ge [sflag:s22], $0x4000  }
.Ltmp2:
0xa5: {  	[sflag:s22] =	ssyncset.done $0x0;
	(pc) =	sbr.rel @p0 .LBB2_6-.Ltmp2, $4  }
0xa6: {  	s0 =	sadd.s32 $0x1480, s28;
	[sflag:s22] =	ssyncadd.s32 $0xFFFFC000  }
0xa7: {  	[spmem:s2] =	stream.indirect.scatter.add.f32 [tilespmem:s20], [sflag:$0x3], $0x80, s0, s19, $0xb8;
	[tilespmem:$0x1E800] =	vst v63  }
0xa8: {  	_ =	swait.ge [sflag:s17], $0x4000  }
0xa9: {  	s29 =	smov.u32 s31;
	s28 =	sshra.s32 s30, $0x2;
	[sflag:s17] =	ssyncset.done $0x0  }
0xaa: {  	s0 =	sadd.s32 $0x80, s28;
	[sflag:s17] =	ssyncadd.s32 $0xFFFFC000  }
0xab: {  	[tilespmem:s20], [sflag:$0x2] =	stream.indirect.gather [hbm4b:s4+s19], $0x80, s0, s19, $0xb8;
	[tilespmem:$0x1E800] =	vst v63  }
0xac: {  	_ =	swait.ge [sflag:s21], $0x4000  }
0xad: {  	[sflag:s21] =	ssyncset.done $0x0  }
0xae: {  	s30 =	sadd.s32 $0x1400, s28;
	[sflag:s21] =	ssyncadd.s32 $0xFFFFC000  }
0xaf: {  	[spmem:s2] =	stream.indirect.scatter.add.f32 [tilespmem:s16], [sflag:$0x3], $0x80, s30, s19, $0xb8;
	[tilespmem:$0x1E800] =	vst v63  }
0xb0: {  	_ =	swait.ge [sflag:s17], $0x4000  }
0xb1: {  	[sflag:s17] =	ssyncset.done $0x0  }
0xb2: {  	s31 =	sadd.s32 $0x100, s28;
	[sflag:s17] =	ssyncadd.s32 $0xFFFFC000  }
0xb3: {  	[tilespmem:s16], [sflag:$0x1] =	stream.indirect.gather [hbm4b:s4+s19], $0x80, s31, s19, $0xb8;
	[tilespmem:$0x1E800] =	vst v63  }
0xb4: {  	_ =	swait.ge [sflag:s22], $0x4000  }
0xb5: {  	[sflag:s22] =	ssyncset.done $0x0  }
0xb6: {  	s29 =	sadd.s32 $0x1480, s28;
	[sflag:s22] =	ssyncadd.s32 $0xFFFFC000  }
0xb7: {  	[spmem:s2] =	stream.indirect.scatter.add.f32 [tilespmem:s20], [sflag:$0x3], $0x80, s29, s19, $0xb8;
	[tilespmem:$0x1E800] =	vst v63  }
0xb8: {  	_ =	swait.ge [sflag:s17], $0x4000  }
0xb9: {  	[sflag:s17] =	ssyncset.done $0x0  }
0xba: {  	[sflag:s17] =	ssyncadd.s32 $0xFFFFC000  }
0xbb: {  	[tilespmem:s20], [sflag:$0x2] =	stream.indirect.gather [hbm4b:s4+s19], $0x80, s23, s19, $0xb8;
	[tilespmem:$0x1E800] =	vst v63  }
0xbc: {  	_ =	swait.ge [sflag:s21], $0x4000  }
0xbd: {  	[sflag:s21] =	ssyncset.done $0x0  }
0xbe: {  	[sflag:s21] =	ssyncadd.s32 $0xFFFFC000  }
0xbf: {  	[spmem:s2] =	stream.indirect.scatter.add.f32 [tilespmem:s16], [sflag:$0x3], $0x80, s24, s19, $0xb8;
	[tilespmem:$0x1E800] =	vst v63  }
0xc0: {  	_ =	swait.ge [sflag:s17], $0x4000  }
0xc1: {  	[sflag:s17] =	ssyncset.done $0x0  }
0xc2: {  	[sflag:s17] =	ssyncadd.s32 $0xFFFFC000  }
0xc3: {  	[tilespmem:s16], [sflag:$0x1] =	stream.indirect.gather [hbm4b:s4+s19], $0x80, s3, s19, $0xb8;
	[tilespmem:$0x1E800] =	vst v63  }
0xc4: {  	_ =	swait.ge [sflag:s22], $0x4000  }
0xc5: {  	[sflag:s22] =	ssyncset.done $0x0  }
0xc6: {  	[sflag:s22] =	ssyncadd.s32 $0xFFFFC000  }
0xc7: {  	[spmem:s2] =	stream.indirect.scatter.add.f32 [tilespmem:s20], [sflag:$0x3], $0x80, s25, s19, $0xb8;
	[tilespmem:$0x1E800] =	vst v63  }
0xc8: {  	_ =	swait.ge [sflag:s17], $0x4000  }
0xc9: {  	[sflag:s17] =	ssyncset.done $0x0  }
0xca: {  	[sflag:s17] =	ssyncadd.s32 $0xFFFFC000  }
0xcb: {  	_ =	swait.ge [sflag:s21], $0x4000  }
0xcc: {  	s26 =	sadd.s32 $0x1, s26;
	s30 =	sshll.u32 s1, $0x6;
	[sflag:s21] =	ssyncset.done $0x0  }
0xcd: {  	p0 =	sne.s32 s26, s11;
	s0 =	sor.u32 $0x1C03, s30;
	[sflag:s21] =	ssyncadd.s32 $0xFFFFC000  }
.Ltmp3:
0xce: {  	s31 =	sshrl.u32 s5, $0x3;
	[bflag:$0x0] =	sbarrier.arrive $0xFFFF;
	(pc) =	sbr.rel @p0 .LBB2_1-.Ltmp3, $4  }
0xcf: {  	[hbm:s10], [sflag:s0] =	dma.local [spmem:s31], $0x2800  }
0xd0: {  	_ =	swait.ge [sflag:s17], $0x2800  }
0xd1: {  	[sflag:s17] =	ssyncset.done $0x0  }
0xd2: {  	[sflag:s17] =	ssyncadd.s32 $0xFFFFD800  }
0xd3: {  	_ =	sfence.sel $0x180000  }
0xd4: {  	[bflag:$0x0] =	sbarrier.arrive $0xFFFF  }
0xd5: {  	_ =	strace $0x9000004D  }
0xd6: {  	[bflag:$0x2] =	sbarrier.arrive $0xFFFF  }
0xd7: {  	p0 =	sne.s32 s1, $0x0;
	s0 =	rddreg [dreg:$0x3]  }
0xd8: {  	s0 =	sadd.s32 @!p0 $0x100000, s0  }
0xd9: {  	[sflag:s0] =	ssyncadd.tile.s32 @!p0 $0x1;
	_ =	shalt  }
.Lfunc_end2:
_tile_overlayer_lowered:
.L_overlay_start_2:
0xda: {  	(tag) =	ssettag $0x2  }
0xdb: {  	s0 =	rddreg [dreg:$0x0];
	s2 =	stileid.u32  }
0xdc: {  	s1 =	rddreg [dreg:$0x1];
	p0 =	sne.s32 s2, $0x0  }
0xdd: {  	s3 =	rddreg [dreg:$0x2];
	[bflag:$0x3] =	sbarrier.arrive $0xFFFF;
	s2 =	simm.s32 @!p0 $0x1C03  }
0xde: {  	[timem:s3], [sflag:s2] =	dma.local @!p0 [hbm:s0], s1  }
0xdf: {  	s0 =	simm.s32 @!p0 $0x3  }
0xe0: {  	_ =	swait.ge @!p0 [sflag:s0], s1  }
0xe1: {  	s1 =	ssub.s32 @!p0 $0x0, s1;
	[sflag:s0] =	ssyncset.done @!p0 $0x0  }
0xe2: {  	[sflag:s0] =	ssyncadd.s32 @!p0 s1  }
0xe3: {  	[bflag:$0x3] =	sbarrier.arrive $0xFFFF  }
0xe4: {  	_ =	shalt  }

// kernel: kernel.8.cloned.1.call-start
scs
__scs_entry_jumppad:
0x0: {  	(pc) =	sbr.rel $0x88, $3  }
0x1: {  	(tag) =	ssettag $0x0;
	lr =	simm.s32 $0x1  }
0x2: {  	[smem:$0x3F9B] =	sst lr;
	_ =	strace $0xD0000000  }
0x3: {  	_ = 	snop  }
0x4: {  	_ = 	snop  }
0x5: {  	_ = 	snop  }
0x6: {  	_ = 	snop  }
0x7: {  	_ = 	snop  }
__scs_overlays_trampoline_lowered:
0x8: {  	[smem:$0x3FAA] =	sst s0  }
0x9: {  	[smem:$0x3FAB] =	sst s1  }
0xa: {  	[smem:$0x3FAC] =	sst s2  }
0xb: {  	[smem:$0x3FAD] =	sst s3  }
0xc: {  	[smem:$0x3FAE] =	sst s4  }
0xd: {  	[smem:$0x3FAF] =	sst s5  }
0xe: {  	[smem:$0x3FB0] =	sst s6  }
0xf: {  	[smem:$0x3FB1] =	sst s7  }
0x10: {  	[smem:$0x3FB2] =	sst s8  }
0x11: {  	[smem:$0x3FB3] =	sst s9;
	s0 =	simm.s32 @!p0 $0x0  }
0x12: {  	s1 =	sld [smem:$0x3F99];
	s0 =	simm.s32 @p0 $0x1  }
0x13: {  	[smem:$0x3FB4] =	sst s0;
	s0 =	simm.s32 @!p1 $0x0  }
0x14: {  	s2 =	sld [smem:$0x3F98];
	s0 =	simm.s32 @p1 $0x1  }
0x15: {  	[smem:$0x3FB5] =	sst s0;
	s0 =	simm.s32 @!p2 $0x0  }
0x16: {  	s3 =	sld [smem:$0x3FDB];
	s0 =	simm.s32 @p2 $0x1  }
0x17: {  	s4 =	simm.s32 $0x1BF5;
	[smem:$0x3FB7] =	sst s0  }
0x18: {  	s0 =	sld [smem:$0x3F9A];
	_ =	swait.ge [sflag:s4], $0x0  }
0x19: {  	s7 =	sld [smem:$0x3F9B]  }
0x1a: {  	s8 =	sadd.s32 $0xFFFFE003, lr  }
0x1b: {  	s9 =	sadd.s32 $0xFFFFFEF7, lr;
	s5 =	simm.s32 $0xFFFFFFFF;
	p2 =	slt.u32 s8, $0xFFFFF086  }
0x1c: {  	p1 =	slt.u32 s9, $0xF7A;
	s5 =	simm.s32 @!p2 $0x0  }
0x1d: {  	s5 =	simm.s32 @p1 $0x1;
	p0 =	seq.s32 s7, s2  }
0x1e: {  	s7 =	smul.u32 @!p0 $0xF7A, s2;
	p2 =	seq.s32 @!p0 s5, $0x0  }
0x1f: {  	s9 =	smul.u32 $0xF7A, s1;
	s8 =	simm.s32 @!p0 $0x1BF5;
	p2 =	por !p2, p0  }
0x20: {  	[sflag:s8] =	ssyncset.s32 @!p0 $0xFFFFF086;
	s6 =	sadd.s32 @!p0 s3, s7;
	s7 =	simm.s32 @!p0 $0x108  }
0x21: {  	s3 =	sadd.s32 s3, s9;
	s6 =	sadd.s32 @!p0 $0x88, s6;
	s7 =	simm.s32 @p2 $0x1082  }
0x22: {  	[simem:s7], [sflag:s8] =	dma.local @!p0 [hbm:s6], $0xF7A  }
0x23: {  	s9 =	sor.u32 $0xD0000000, s2;
	s6 =	simm.s32 $0x108;
	_ =	swait.ge @!p0 [sflag:s8], $0x0  }
0x24: {  	s3 =	sadd.s32 $0x88, s3;
	s6 =	simm.s32 @!p1 $0x1082;
	[sflag:s4] =	ssyncset.s32 $0xFFFFF086  }
0x25: {  	[simem:s6], [sflag:s4] =	dma.local [hbm:s3], $0xF7A  }
0x26: {  	[smem:$0x3F9B] =	sst s1;
	(tag) =	ssettag s2;
	_ =	strace s9  }
0x27: {  	s1 =	sld [smem:$0x3FAB]  }
0x28: {  	s2 =	sld [smem:$0x3FAC]  }
0x29: {  	s4 =	sld [smem:$0x3FAE]  }
0x2a: {  	p0 =	seq.s32 s5, $0x0;
	s5 =	sld [smem:$0x3FAF]  }
0x2b: {  	s6 =	sld [smem:$0x3FB0]  }
0x2c: {  	s7 =	sld [smem:$0x3FB1]  }
0x2d: {  	s3 =	simm.s32 $0x108;
	s8 =	sld [smem:$0x3FB2]  }
0x2e: {  	s3 =	simm.s32 @!p0 $0x1082;
	s9 =	sld [smem:$0x3FB3]  }
0x2f: {  	lr =	sadd.s32 s0, s3;
	s0 =	sld [smem:$0x3FAA]  }
0x30: {  	s3 =	sld [smem:$0x3FAD]  }
0x31: {  	[smem:$0x3FB6] =	sst s10  }
0x32: {  	s10 =	sld [smem:$0x3FB4];
	_ =	sdelay $0x3  }
0x33: {  	p0 =	seq.s32 s10, $0x1;
	s10 =	sld [smem:$0x3FB6];
	_ =	sdelay $0x3  }
0x34: {  	[smem:$0x3FB6] =	sst s10  }
0x35: {  	s10 =	sld [smem:$0x3FB5];
	_ =	sdelay $0x3  }
0x36: {  	p1 =	seq.s32 s10, $0x1;
	s10 =	sld [smem:$0x3FB6];
	_ =	sdelay $0x3  }
0x37: {  	[smem:$0x3FB6] =	sst s10  }
0x38: {  	s10 =	sld [smem:$0x3FB7]  }
0x39: {  	_ = 	snop;
	(pc) =	sbr.ind lr, $3  }
0x3a: {  	_ = 	snop  }
0x3b: {  	_ = 	snop  }
0x3c: {  	p2 =	seq.s32 s10, $0x1;
	s10 =	sld [smem:$0x3FB6]  }
0x3d: {  	_ =	shalt  }
0x3e: {  	_ =	shalt  }
0x3f: {  	_ =	shalt  }
0x40: {  	_ =	shalt  }
0x41: {  	_ =	shalt  }
0x42: {  	_ =	shalt  }
0x43: {  	_ =	shalt  }
0x44: {  	_ =	shalt  }
0x45: {  	_ =	shalt  }
0x46: {  	_ =	shalt  }
0x47: {  	_ =	shalt  }
0x48: {  	_ =	shalt  }
0x49: {  	_ =	shalt  }
0x4a: {  	_ =	shalt  }
0x4b: {  	_ =	shalt  }
0x4c: {  	_ =	shalt  }
0x4d: {  	_ =	shalt  }
0x4e: {  	_ =	shalt  }
0x4f: {  	_ =	shalt  }
0x50: {  	_ =	shalt  }
0x51: {  	_ =	shalt  }
0x52: {  	_ =	shalt  }
0x53: {  	_ =	shalt  }
0x54: {  	_ =	shalt  }
0x55: {  	_ =	shalt  }
0x56: {  	_ =	shalt  }
0x57: {  	_ =	shalt  }
0x58: {  	_ =	shalt  }
0x59: {  	_ =	shalt  }
0x5a: {  	_ =	shalt  }
0x5b: {  	_ =	shalt  }
0x5c: {  	_ =	shalt  }
0x5d: {  	_ =	shalt  }
0x5e: {  	_ =	shalt  }
0x5f: {  	_ =	shalt  }
0x60: {  	_ =	shalt  }
0x61: {  	_ =	shalt  }
0x62: {  	_ =	shalt  }
0x63: {  	_ =	shalt  }
0x64: {  	_ =	shalt  }
0x65: {  	_ =	shalt  }
0x66: {  	_ =	shalt  }
0x67: {  	_ =	shalt  }
0x68: {  	_ =	shalt  }
0x69: {  	_ =	shalt  }
0x6a: {  	_ =	shalt  }
0x6b: {  	_ =	shalt  }
0x6c: {  	_ =	shalt  }
0x6d: {  	_ =	shalt  }
0x6e: {  	_ =	shalt  }
0x6f: {  	_ =	shalt  }
0x70: {  	_ =	shalt  }
0x71: {  	_ =	shalt  }
0x72: {  	_ =	shalt  }
0x73: {  	_ =	shalt  }
0x74: {  	_ =	shalt  }
0x75: {  	_ =	shalt  }
0x76: {  	_ =	shalt  }
0x77: {  	_ =	shalt  }
0x78: {  	_ =	shalt  }
0x79: {  	_ =	shalt  }
0x7a: {  	_ =	shalt  }
0x7b: {  	_ =	shalt  }
0x7c: {  	_ =	shalt  }
0x7d: {  	_ =	shalt  }
0x7e: {  	_ =	shalt  }
0x7f: {  	_ =	shalt  }
0x80: {  	_ =	shalt  }
0x81: {  	_ =	shalt  }
0x82: {  	_ =	shalt  }
0x83: {  	_ =	shalt  }
0x84: {  	_ =	shalt  }
0x85: {  	_ =	shalt  }
0x86: {  	_ =	shalt  }
0x87: {  	_ =	shalt  }
.Lfunc_end0:
.L_simem_size_0:
called_computation_lowered:
.L_overlay_start_0:
0x88: {  	s2 =	sld [smem:$0x3FD9]  }
0x89: {  	s3 =	sld [smem:$0x3FFE];
	_ =	sdelay $0x1  }
0x8a: {  	s1 =	srdreg.scid  }
0x8b: {  	s0 =	sand.u32 $0x1, s1  }
0x8c: {  	s17 =	sshll.u32 s0, $0xA;
	s2 =	sadd.s32 s3, s2  }
0x8d: {  	s2 =	sadd.s32 s2, s17  }
0x8e: {  	[smem:$0x3FC2] =	sst s2  }
0x8f: {  	_ = 	snop  }
0x90: {  	s2 =	sld [smem:$0x3FD0];
	(tm) =	ssettm $0x1  }
0x91: {  	s18 =	sld [smem:$0x3FFB];
	_ =	sdelay $0x3  }
0x92: {  	_ =	strace s18  }
0x93: {  	s3 =	sld [smem:$0x3FFC];
	_ =	sdelay $0x3  }
0x94: {  	_ =	strace s3  }
0x95: {  	s3 =	sld [smem:$0x3FFD];
	_ =	sdelay $0x3  }
0x96: {  	_ =	strace s3  }
0x97: {  	_ =	strace $0x8FFFFFFF  }
0x98: {  	s19 =	sld [smem:$0x3FDB];
	_ =	sdelay $0x1  }
0x99: {  	s4 =	simm.s32 $_scs_section_size  }
0x9a: {  	s5 =	simm.s32 $_size__tile_overlayer_lowered;
	s6 =	simm.s32 $_tile_overlayer_lowered  }
0x9b: {  	s22 =	simm.s32 $0x1BFF;
	s21 =	sshll.u32 s6, $0x1;
	s3 =	sadd.s32 s4, s19  }
0x9c: {  	s7 =	simm.s32 $0x0;
	s20 =	sshll.u32 s5, $0x1;
	s5 =	sadd.s32 s21, s3  }
0x9d: {  	[timem:s7], [sflag:s22] =	dma.local [hbm:s5], s20  }
0x9e: {  	_ =	swait.ge [sflag:s22], s20  }
0x9f: {  	s4 =	ssub.s32 $0x0, s20;
	[sflag:s22] =	ssyncset.done $0x0  }
0xa0: {  	[sflag:s22] =	ssyncadd.s32 s4;
	_ =	sdelay $0x1  }
0xa1: {  	s23 =	simm.s32 $0x1B8B  }
0xa2: {  	_ =	swait.ge [sflag:s23], $0x1  }
0xa3: {  	[sflag:s23] =	ssyncset.done $0x0  }
0xa4: {  	s25 =	simm.s32 $0x1B8E;
	s24 =	sld [smem:$0x3FFE];
	[sflag:s23] =	ssyncadd.s32 $0xFFFFFFFF  }
0xa5: {  	s26 =	simm.s32 $execute0_lowered;
	[smem:$0x3FD2] =	sst s25  }
0xa6: {  	s5 =	sshll.u32 s26, $0x1;
	_ =	strace $0x80000046;
	[dreg:$0x1] =	wrdreg $0xFFFFFFFF  }
0xa7: {  	s28 =	simm.s32 $_size_execute0_lowered;
	s3 =	sadd.s32 s3, s5;
	[dreg:$0x0] =	wrdreg $0x0  }
0xa8: {  	s5 =	sshll.u32 s28, $0x1;
	[dreg:$0x2] =	wrdreg s3  }
0xa9: {  	[dreg:$0x3] =	wrdreg s5  }
0xaa: {  	[dreg:$0x4] =	wrdreg $0xC0  }
0xab: {  	_ =	task [dreg:s7], $0x5FFFF  }
0xac: {  	[dreg:$0x1] =	wrdreg $0xFFFFFFFF  }
0xad: {  	[dreg:$0x0] =	wrdreg $0x60  }
0xae: {  	[dreg:$0x2] =	wrdreg s24  }
0xaf: {  	[dreg:$0x3] =	wrdreg s2  }
0xb0: {  	[dreg:$0x4] =	wrdreg $0xA8000  }
0xb1: {  	[dreg:$0x5] =	wrdreg $0x9  }
0xb2: {  	_ =	task.clear_ibuf [dreg:s7], $0x6FFFF;
	_ =	strace $0x90000046  }
0xb3: {  	s29 =	simm.s32 $0x9;
	_ =	strace $0x80000048  }
0xb4: {  	_ =	swait.ge [sflag:s29], $0x1  }
0xb5: {  	[sflag:s29] =	ssyncadd.s32 $0xFFFFFFFF  }
0xb6: {  	_ =	strace $0x90000048  }
0xb7: {  	_ =	sfence  }
0xb8: {  	s30 =	sld [smem:$0x0];
	_ =	sdelay $0x2  }
0xb9: {  	s31 =	sshll.u32 s1, $0xD;
	s1 =	sshrl.u32 s1, $0x2  }
0xba: {  	s3 =	sand.u32 $0x4000, s31;
	s1 =	sadd.s32 s1, s30  }
0xbb: {  	s0 =	sor.u32 s3, s0;
	s1 =	sshll.u32 s1, $0x11  }
0xbc: {  	s0 =	sor.u32 s1, s0  }
0xbd: {  	s0 =	sadd.s32 $0x8F2B, s0  }
0xbe: {  	[sflag:s0] =	ssyncadd.remote.s32 $0x1  }
0xbf: {  	_ =	sfence.sel $0xFFFF  }
0xc0: {  	[dreg:$0x0] =	wrdreg $0xFFFFFFFF;
	(pc) =	sbr.abs _section_cstart, $3  }
0xc1: {  	[dreg:$0x1] =	wrdreg $0xFFFFFFFF  }
0xc2: {  	_ =	task.clear_ibuf [dreg:s7], $0x2FFFF;
	_ =	strace $0x9FFFFFFF  }
0xc3: {  	(tm) =	ssettm $0x7FFFFFFF  }
tec
execute0_lowered:
.L_overlay_start_1:
0x0: {  	(tag) =	ssettag $0x1  }
0x1: {  	s11 =	rddreg [dreg:$0x0]  }
0x2: {  	s17 =	rddreg [dreg:$0x1];
	s0 =	srdreg.scid  }
0x3: {  	s2 =	rddreg [dreg:$0x2];
	s1 =	stileid.u32  }
0x4: {  	s3 =	simm.s32 $0x0;
	s19 =	simm.s32 $0x2;
	s20 =	simm.s32 $0x6800  }
0x5: {  	s21 =	simm.s32 $0x1400;
	s22 =	simm.s32 $0x80;
	s23 =	simm.s32 $0x1  }
0x6: {  	s6 =	sand.u32 $0x1, s0;
	s0 =	rddreg [dreg:$0x3];
	s5 =	smul.u32 $0x14000, s1  }
0x7: {  	s24 =	simm.s32 $0x0;
	[smem:$0x7FF] =	sst s3;
	s7 =	smul.u32 $0x50000, s1  }
0x8: {  	s16 =	sadd.s32 $0x2000, s11;
	s9 =	sshll.u32 s1, $0x1;
	s10 =	sadd.s32 $0xC800, s11  }
0x9: {  	s4 =	smul.u32 $0x140000, s6;
	_ =	strace $0x80000047;
	s8 =	ssub.s32 $0x2, s6  }
0xa: {  	s9 =	sor.u32 s6, s9;
	s30 =	sshrl.u32 s7, $0x2;
	s31 =	sshrl.u32 s8, $0x1  }
0xb: {  	s14 =	smul.u32 $0x2800, s9;
	s5 =	sadd.s32 s5, s4;
	s13 =	ssub.s32 s8, s31  }
0xc: {  	s4 =	sadd.s32 $0xC000, s11;
	s5 =	sshrl.u32 s5, $0x3;
	s13 =	smax.u32 s13, $0x1  }
0xd: {  	s18 =	sshrl.u32 s14, $0x3;
	s12 =	sadd.s32 s5, s11;
	s5 =	sadd.s32 s30, s2  }
0xe: {  	s11 =	sadd.s32 $0xD000, s11;
	s14 =	sadd.s32 s16, s18;
	s15 =	sadd.s32 s17, s18  }
0xf: {  	s18 =	sadd.s32 $0x280, s18;
	s6 =	sadd.s32 $0x4000, s5;
	s7 =	sadd.s32 $0x8000, s5  }
0x10: {  	s8 =	sadd.s32 $0xC000, s5;
	s9 =	sadd.s32 $0x10000, s5;
	s12 =	sadd.s32 $0xD800, s12  }
0x11: {  	s16 =	sadd.s32 s16, s18;
	s17 =	sadd.s32 s17, s18;
	s18 =	simm.s32 $0x2800  }
.LBB2_1:
0x12: {  	[tilespmem:s18], [sflag:$0x2] =	stream.linear.gather [hbm4b:s4+s3], $0x4000, $0x38;
	[tilespmem:$0x1E800] =	vst v63  }
0x13: {  	_ =	swait.ge [sflag:s19], $0x4000  }
0x14: {  	[sflag:s19] =	ssyncset.done $0x0  }
0x15: {  	[sflag:s19] =	ssyncadd.s32 $0xFFFFC000  }
0x16: {  	[spmem:s5] =	stream.linear.scatter [tilespmem:s18], [sflag:$0x2], $0x4000, $0x38;
	[tilespmem:$0x1E800] =	vst v63  }
0x17: {  	_ =	swait.ge [sflag:s19], $0x4000  }
0x18: {  	[sflag:s19] =	ssyncset.done $0x0  }
0x19: {  	[sflag:s19] =	ssyncadd.s32 $0xFFFFC000  }
0x1a: {  	[spmem:s6] =	stream.linear.scatter [tilespmem:s18], [sflag:$0x2], $0x4000, $0x38;
	[tilespmem:$0x1E800] =	vst v63  }
0x1b: {  	_ =	swait.ge [sflag:s19], $0x4000  }
0x1c: {  	[sflag:s19] =	ssyncset.done $0x0  }
0x1d: {  	[sflag:s19] =	ssyncadd.s32 $0xFFFFC000  }
0x1e: {  	[spmem:s7] =	stream.linear.scatter [tilespmem:s18], [sflag:$0x2], $0x4000, $0x38;
	[tilespmem:$0x1E800] =	vst v63  }
0x1f: {  	_ =	swait.ge [sflag:s19], $0x4000  }
0x20: {  	[sflag:s19] =	ssyncset.done $0x0  }
0x21: {  	[sflag:s19] =	ssyncadd.s32 $0xFFFFC000  }
0x22: {  	[spmem:s8] =	stream.linear.scatter [tilespmem:s18], [sflag:$0x2], $0x4000, $0x38;
	[tilespmem:$0x1E800] =	vst v63  }
0x23: {  	_ =	swait.ge [sflag:s19], $0x4000  }
0x24: {  	[sflag:s19] =	ssyncset.done $0x0  }
0x25: {  	[sflag:s19] =	ssyncadd.s32 $0xFFFFC000  }
0x26: {  	[spmem:s9] =	stream.linear.scatter [tilespmem:s18], [sflag:$0x2], $0x4000, $0x38;
	[tilespmem:$0x1E800] =	vst v63  }
0x27: {  	_ =	swait.ge [sflag:s19], $0x4000  }
0x28: {  	[sflag:s19] =	ssyncset.done $0x0  }
0x29: {  	[sflag:s19] =	ssyncadd.s32 $0xFFFFC000  }
0x2a: {  	[tilespmem:s18], [sflag:$0x2] =	stream.linear.gather [hbm4b:s10+s3], $0x4000, $0x38;
	[tilespmem:$0x1E800] =	vst v63  }
0x2b: {  	_ =	swait.ge [sflag:s19], $0x4000  }
0x2c: {  	[sflag:s19] =	ssyncset.done $0x0  }
0x2d: {  	[sflag:s19] =	ssyncadd.s32 $0xFFFFC000  }
0x2e: {  	[tilespmem:s20], [sflag:$0x2] =	stream.linear.gather [hbm4b:s11+s3], $0x4000, $0x38;
	[tilespmem:$0x1E800] =	vst v63  }
0x2f: {  	_ =	swait.ge [sflag:s19], $0x4000  }
0x30: {  	[sflag:s19] =	ssyncset.done $0x0  }
0x31: {  	[sflag:s19] =	ssyncadd.s32 $0xFFFFC000  }
0x32: {  	[bflag:$0x0] =	sbarrier.arrive $0xFFFF  }
0x33: {  	[tilespmem:s3], [sflag:$0x2] =	stream.linear.gather [hbm4b:s14+s3], $0x1400, $0x38;
	[tilespmem:$0x1E800] =	vst v63  }
0x34: {  	_ =	swait.ge [sflag:s19], $0x1400  }
0x35: {  	[sflag:s19] =	ssyncset.done $0x0  }
0x36: {  	[sflag:s19] =	ssyncadd.s32 $0xFFFFEC00  }
0x37: {  	[tilespmem:s21], [sflag:$0x2] =	stream.linear.gather [hbm4b:s15+s3], $0x1400, $0x38;
	[tilespmem:$0x1E800] =	vst v63  }
0x38: {  	_ =	swait.ge [sflag:s19], $0x1400  }
0x39: {  	[sflag:s19] =	ssyncset.done $0x0  }
0x3a: {  	s25 =	simm.s32 $0x0;
	[sflag:s19] =	ssyncadd.s32 $0xFFFFEC00  }
0x3b: {  	[spmem:s2] =	stream.indirect.scatter.add.f32 [tilespmem:s18], [sflag:$0x1], $0x80, s25, s22, $0xb8;
	[tilespmem:$0x1E800] =	vst v63  }
0x3c: {  	s26 =	simm.s32 $0x1400;
	s25 =	simm.s32 $0x200  }
.LBB2_2:
0x3d: {  	[spmem:s2] =	stream.indirect.scatter.add.f32 [tilespmem:s20], [sflag:$0x1], $0x80, s26, s22, $0xb8;
	[tilespmem:$0x1E800] =	vst v63  }
0x3e: {  	s26 =	smov.u32 s25;
	p0 =	sne.s32 s25, $0x4E00  }
.Ltmp0:
0x3f: {  	s25 =	sadd.s32 $0x200, s25;
	(pc) =	sbr.rel @p0 .LBB2_2-.Ltmp0, $4  }
0x40: {  	_ = 	snop  }
0x41: {  	s26 =	sshra.s32 s26, $0x2  }
0x42: {  	[spmem:s2] =	stream.indirect.scatter.add.f32 [tilespmem:s18], [sflag:$0x1], $0x80, s26, s22, $0xb8;
	[tilespmem:$0x1E800] =	vst v63  }
0x43: {  	s26 =	sadd.s32 $0x1400, s26  }
0x44: {  	[spmem:s2] =	stream.indirect.scatter.add.f32 [tilespmem:s20], [sflag:$0x1], $0x80, s26, s22, $0xb8;
	[tilespmem:$0x1E800] =	vst v63  }
0x45: {  	_ =	swait.ge [sflag:s23], $0x4000  }
0x46: {  	[sflag:s23] =	ssyncset.done $0x0  }
0x47: {  	[sflag:s23] =	ssyncadd.s32 $0xFFFFC000  }
0x48: {  	_ =	swait.ge [sflag:s23], $0x4000  }
0x49: {  	s25 =	simm.s32 $0x27;
	[sflag:s23] =	ssyncset.done $0x0  }
.LBB2_4:
0x4a: {  	p0 =	sne.s32 s25, $0x1;
	s25 =	sadd.s32 $0xFFFFFFFF, s25;
	[sflag:s23] =	ssyncadd.s32 $0xFFFFC000  }
.Ltmp1:
0x4b: {  	_ =	swait.ge [sflag:s23], $0x4000;
	(pc) =	sbr.rel @p0 .LBB2_4-.Ltmp1, $4  }
0x4c: {  	[sflag:s23] =	ssyncset.done $0x0  }
0x4d: {  	[sflag:s23] =	ssyncadd.s32 $0xFFFFC000  }
0x4e: {  	_ =	swait.ge [sflag:s23], $0x4000  }
0x4f: {  	[sflag:s23] =	ssyncset.done $0x0  }
0x50: {  	[sflag:s23] =	ssyncadd.s32 $0xFFFFC000;
	s25 =	simm.s32 $0x0  }
0x51: {  	[tilespmem:s25], [sflag:$0x2] =	stream.linear.gather [hbm4b:s16+s25], $0x1400, $0x38;
	[tilespmem:$0x1E800] =	vst v63  }
0x52: {  	_ =	swait.ge [sflag:s19], $0x1400  }
0x53: {  	[sflag:s19] =	ssyncset.done $0x0  }
0x54: {  	[sflag:s19] =	ssyncadd.s32 $0xFFFFEC00  }
0x55: {  	[tilespmem:s21], [sflag:$0x2] =	stream.linear.gather [hbm4b:s17+s25], $0x1400, $0x38;
	[tilespmem:$0x1E800] =	vst v63  }
0x56: {  	_ =	swait.ge [sflag:s19], $0x1400  }
0x57: {  	s31 =	simm.s32 $0x0;
	[sflag:s19] =	ssyncset.done $0x0  }
0x58: {  	s26 =	simm.s32 $0x1400;
	s25 =	simm.s32 $0x200;
	[sflag:s19] =	ssyncadd.s32 $0xFFFFEC00  }
0x59: {  	[spmem:s2] =	stream.indirect.scatter.add.f32 [tilespmem:s18], [sflag:$0x1], $0x80, s31, s22, $0xb8;
	[tilespmem:$0x1E800] =	vst v63  }
.LBB2_6:
0x5a: {  	[spmem:s2] =	stream.indirect.scatter.add.f32 [tilespmem:s20], [sflag:$0x1], $0x80, s26, s22, $0xb8;
	[tilespmem:$0x1E800] =	vst v63  }
0x5b: {  	s26 =	smov.u32 s25;
	p0 =	sne.s32 s25, $0x4E00  }
.Ltmp2:
0x5c: {  	s25 =	sadd.s32 $0x200, s25;
	(pc) =	sbr.rel @p0 .LBB2_6-.Ltmp2, $4  }
0x5d: {  	_ = 	snop  }
0x5e: {  	s26 =	sshra.s32 s26, $0x2  }
0x5f: {  	[spmem:s2] =	stream.indirect.scatter.add.f32 [tilespmem:s18], [sflag:$0x1], $0x80, s26, s22, $0xb8;
	[tilespmem:$0x1E800] =	vst v63  }
0x60: {  	s26 =	sadd.s32 $0x1400, s26  }
0x61: {  	[spmem:s2] =	stream.indirect.scatter.add.f32 [tilespmem:s20], [sflag:$0x1], $0x80, s26, s22, $0xb8;
	[tilespmem:$0x1E800] =	vst v63  }
0x62: {  	_ =	swait.ge [sflag:s23], $0x4000  }
0x63: {  	[sflag:s23] =	ssyncset.done $0x0  }
0x64: {  	[sflag:s23] =	ssyncadd.s32 $0xFFFFC000  }
0x65: {  	_ =	swait.ge [sflag:s23], $0x4000  }
0x66: {  	s25 =	simm.s32 $0x27;
	[sflag:s23] =	ssyncset.done $0x0  }
.LBB2_8:
0x67: {  	p0 =	sne.s32 s25, $0x1;
	s25 =	sadd.s32 $0xFFFFFFFF, s25;
	[sflag:s23] =	ssyncadd.s32 $0xFFFFC000  }
.Ltmp3:
0x68: {  	_ =	swait.ge [sflag:s23], $0x4000;
	(pc) =	sbr.rel @p0 .LBB2_8-.Ltmp3, $4  }
0x69: {  	[sflag:s23] =	ssyncset.done $0x0  }
0x6a: {  	[sflag:s23] =	ssyncadd.s32 $0xFFFFC000  }
0x6b: {  	_ =	swait.ge [sflag:s23], $0x4000  }
0x6c: {  	[sflag:s23] =	ssyncset.done $0x0  }
0x6d: {  	[sflag:s23] =	ssyncadd.s32 $0xFFFFC000;
	s24 =	sadd.s32 $0x1, s24  }
0x6e: {  	s25 =	sshll.u32 s1, $0x6;
	s26 =	sshrl.u32 s5, $0x3;
	p0 =	sne.s32 s24, s13  }
.Ltmp4:
0x6f: {  	[bflag:$0x0] =	sbarrier.arrive $0xFFFF;
	s25 =	sor.u32 $0x1C02, s25;
	(pc) =	sbr.rel @p0 .LBB2_1-.Ltmp4, $4  }
0x70: {  	[hbm:s12], [sflag:s25] =	dma.local [spmem:s26], $0x2800  }
0x71: {  	_ =	swait.ge [sflag:s19], $0x2800  }
0x72: {  	[sflag:s19] =	ssyncset.done $0x0  }
0x73: {  	[sflag:s19] =	ssyncadd.s32 $0xFFFFD800  }
0x74: {  	_ =	sfence.sel $0x180000  }
0x75: {  	[bflag:$0x0] =	sbarrier.arrive $0xFFFF  }
0x76: {  	p0 =	sne.s32 s1, $0x0;
	_ =	strace $0x90000047  }
0x77: {  	s0 =	sadd.s32 @!p0 $0x100000, s0;
	[bflag:$0x2] =	sbarrier.arrive $0xFFFF  }
0x78: {  	[sflag:s0] =	ssyncadd.tile.s32 @!p0 $0x1;
	_ =	shalt  }
.Lfunc_end2:
_tile_overlayer_lowered:
.L_overlay_start_2:
0x79: {  	(tag) =	ssettag $0x2  }
0x7a: {  	s0 =	rddreg [dreg:$0x0];
	s2 =	stileid.u32  }
0x7b: {  	s1 =	rddreg [dreg:$0x1];
	p0 =	sne.s32 s2, $0x0  }
0x7c: {  	s3 =	rddreg [dreg:$0x2];
	[bflag:$0x3] =	sbarrier.arrive $0xFFFF;
	s2 =	simm.s32 @!p0 $0x1C02  }
0x7d: {  	[timem:s3], [sflag:s2] =	dma.local @!p0 [hbm:s0], s1  }
0x7e: {  	s0 =	simm.s32 @!p0 $0x2  }
0x7f: {  	_ =	swait.ge @!p0 [sflag:s0], s1  }
0x80: {  	s1 =	ssub.s32 @!p0 $0x0, s1;
	[sflag:s0] =	ssyncset.done @!p0 $0x0  }
0x81: {  	[sflag:s0] =	ssyncadd.s32 @!p0 s1  }
0x82: {  	[bflag:$0x3] =	sbarrier.arrive $0xFFFF  }
0x83: {  	_ =	shalt  }

</sc_bundles>
